<compile_context>
chip_gen: v7x
topology: tpu7x:2x2x1
jax: 0.10.2.dev20260603
libtpu: 0.0.44.dev20260713+nightly
codegen_flags: <defaults>
</compile_context>

<pallas_src>
import functools

import jax
import jax.numpy as jnp
from jax import lax
from jax.experimental import pallas as pl
from jax.experimental.pallas import tpu as pltpu
from jax.experimental.pallas import tpu_sc as plsc


def _sc_kernel(B, D, L, NC, BPW, GCHUNK):
    mesh = plsc.VectorSubcoreMesh(core_axis_name="c", subcore_axis_name="s")
    n_chunks = BPW // GCHUNK
    groups_per_chunk = GCHUNK // L

    @functools.partial(
        pl.kernel,
        mesh=mesh,
        out_type=jax.ShapeDtypeStruct((B,), jnp.float32),
        scratch_types=[
            pltpu.VMEM((BPW,), jnp.int32),
            pltpu.VMEM((BPW, D), jnp.float32),
            pltpu.VMEM((D + 8,), jnp.float32),
            pltpu.VMEM((BPW,), jnp.float32),
            pltpu.SemaphoreType.DMA,
        ],
        compiler_params=pltpu.CompilerParams(needs_layout_passes=False),
    )
    def k(idx_hbm, table_hbm, wb_hbm, out_hbm,
          idx_v, rows_v, wb_v, out_v, sem):
        wid = lax.axis_index("s") * NC + lax.axis_index("c")
        base = wid * BPW

        idx_copy = pltpu.async_copy(idx_hbm.at[pl.ds(base, BPW)], idx_v, sem)
        pltpu.sync_copy(wb_hbm, wb_v)
        idx_copy.wait()

        copies = []
        for g in range(n_chunks):
            copies.append(pltpu.async_copy(
                table_hbm.at[idx_v.at[pl.ds(g * GCHUNK, GCHUNK)]],
                rows_v.at[pl.ds(g * GCHUNK, GCHUNK), :],
                sem,
            ))

        w_chunks = [wb_v[pl.ds(c * L, L)] for c in range(D // L)]
        lane = lax.iota(jnp.int32, L)
        bscalar = plsc.load_gather(wb_v, [jnp.zeros_like(lane) + D])
        m8 = lane < (L // 2)
        xors = [lane ^ s for s in (8, 4, 2, 1)]
        half = lane & (L // 2 - 1)
        packs = [
            (half & 3) | ((half & 4) << 1),
            (half & 1) | ((half >> 1) << 2),
            half << 1,
        ]

        def g16(v, p):
            return v.at[p].get(mode="promise_in_bounds")

        def combine(level, a, b):
            ta = a + g16(a, xors[level])
            tb = b + g16(b, xors[level])
            if level == 0:
                return jnp.where(m8, ta, tb)
            p = packs[level - 1]
            return jnp.where(m8, g16(ta, p), g16(tb, p))

        for c in copies:
            c.wait()

        @plsc.parallel_loop(0, n_chunks * groups_per_chunk, unroll=2)
        def group_body(j):
            j16 = j * L
            stack = []
            for r in range(L):
                s = rows_v[j16 + r, pl.ds(0, L)] * w_chunks[0]
                for c in range(1, D // L):
                    s = rows_v[j16 + r, pl.ds(c * L, L)] * w_chunks[c] + s
                stack.append((0, s))
                while len(stack) >= 2 and stack[-1][0] == stack[-2][0]:
                    lv, bb = stack.pop()
                    _, aa = stack.pop()
                    stack.append((lv + 1, combine(lv, aa, bb)))
            logit = stack[0][1] + bscalar
            out_v[pl.ds(j16, L)] = 1.0 / (1.0 + jnp.exp(-logit))

        pltpu.sync_copy(out_v, out_hbm.at[pl.ds(base, BPW)])

    return k


def kernel(item_indices, embedding_table, pred_W, pred_b):
    B = item_indices.shape[0]
    V, D = embedding_table.shape
    info = plsc.get_sparse_core_info()
    NC, NS, L = info.num_cores, info.num_subcores, info.num_lanes
    NW = NC * NS
    BPW = B // NW
    GCHUNK = 256

    w_flat = pred_W.reshape(D).astype(jnp.float32)
    wb = jnp.concatenate(
        [w_flat, pred_b.astype(jnp.float32),
         jnp.zeros((7,), jnp.float32)])

    out = _sc_kernel(B, D, L, NC, BPW, GCHUNK)(
        item_indices.astype(jnp.int32), embedding_table, wb)
    return out.reshape(B, 1)

# --- scband reference (transcript-rebuilt; emitter-appended) ---
"""Pipeline reference for scband-pfed-rec-model-88192858456149 (READ-ONLY COPY).

The authoritative reference and input builder live on the scoring server;
editing this copy changes nothing except your own understanding.
"""

import jax, jax.numpy as jnp
import numpy as np

NUM_ITEMS = 100000
LATENT_DIM = 128
BATCH = 16384


def setup_inputs(seed: int = 0) -> dict:
    key = jax.random.key(seed)
    k1, k2, k3 = jax.random.split(key, 3)
    item_indices = jax.random.randint(k1, (BATCH,), 0, NUM_ITEMS, dtype=jnp.int64 if jax.config.jax_enable_x64 else jnp.int32).astype(jnp.int32)
    # learned parameters
    embedding_table = jax.random.normal(k2, (NUM_ITEMS, LATENT_DIM), dtype=jnp.float32) * 0.01
    pred_W = jax.random.normal(k3, (LATENT_DIM, 1), dtype=jnp.float32) * (1.0 / np.sqrt(LATENT_DIM))
    pred_b = jnp.zeros((1,), dtype=jnp.float32)
    return {"item_indices": item_indices, "embedding_table": embedding_table, "pred_W": pred_W, "pred_b": pred_b}


def reference(item_indices, embedding_table, pred_W, pred_b):
    # PFedRecEmbedding: embedding lookup
    item_embedding = jnp.take(embedding_table, item_indices, axis=0)  # [B, latent_dim]
    # PFedRecPrediction: single-layer score function with sigmoid
    logits = item_embedding @ pred_W + pred_b  # [B, 1]
    rating = jax.nn.sigmoid(logits)
    return rating

if __name__ == "__main__":
    import jax
    _d = setup_inputs()
    print(jax.jit(kernel)(*tuple(_d.values())))

</pallas_src>

<mosaic_0001>
#map = affine_map<(d0, d1) -> (0)>
#map1 = affine_map<(d0, d1) -> (0, 0)>
module attributes {stable_mosaic.version = 14 : i64} {
  func.func @k(%arg0: i32, %arg1: i32, %arg2: memref<16384xi32, #tpu.memory_space<hbm>>, %arg3: memref<100000x128xf32, #tpu.memory_space<hbm>>, %arg4: memref<136xf32, #tpu.memory_space<hbm>>, %arg5: memref<16384xf32, #tpu.memory_space<hbm>>, %arg6: memref<512xi32, #tpu.memory_space<vmem>>, %arg7: memref<512x128xf32, #tpu.memory_space<vmem>>, %arg8: memref<136xf32, #tpu.memory_space<vmem>>, %arg9: memref<512xf32, #tpu.memory_space<vmem>>, %arg10: memref<!tpu.dma_semaphore, #tpu.memory_space<semaphore_mem>>) attributes {dimension_semantics = [#tpu.dimension_semantics<core_parallel>, #tpu.dimension_semantics<subcore_parallel>], iteration_bounds = array<i64: 2, 16>, scalar_prefetch = 0 : i64, scratch_operands = 5 : i64, tpu.core_type = #tpu.core_type<sc_vector_subcore>, window_params = [{transform_indices = #map}, {transform_indices = #map1}, {transform_indices = #map}, {transform_indices = #map}]} {
    %mul3A = arith.constant 2 : i32
    %mul3A_0 = arith.muli %arg1, %mul3A : i32
    %add3A = arith.addi %mul3A_0, %arg0 : i32
    %mul3A_1 = arith.constant 512 : i32
    %mul3A_2 = arith.muli %add3A, %mul3A_1 : i32
    %dma_start3A = tpu.memref_slice %arg2[%mul3A_2] : memref<16384xi32, #tpu.memory_space<hbm>> -> memref<512xi32, #tpu.memory_space<hbm>>
    %dma_start3A_3 = tpu.memref_slice %arg2[%mul3A_2] : memref<16384xi32, #tpu.memory_space<hbm>> -> memref<512xi32, #tpu.memory_space<hbm>>
    tpu.enqueue_dma source(%dma_start3A_3 : memref<512xi32, #tpu.memory_space<hbm>>) target(%arg6 : memref<512xi32, #tpu.memory_space<vmem>>) target_semaphore(%arg10 : memref<!tpu.dma_semaphore, #tpu.memory_space<semaphore_mem>>)
    "tpu.region"() ({
      %run_scoped3A = tpu.sem_alloc : memref<!tpu.dma_semaphore, #tpu.memory_space<semaphore_mem>>
      tpu.enqueue_dma source(%arg4 : memref<136xf32, #tpu.memory_space<hbm>>) target(%arg8 : memref<136xf32, #tpu.memory_space<vmem>>) target_semaphore(%run_scoped3A : memref<!tpu.dma_semaphore, #tpu.memory_space<semaphore_mem>>)
      tpu.wait_dma2 semaphore(%run_scoped3A : memref<!tpu.dma_semaphore, #tpu.memory_space<semaphore_mem>>) src(%arg4 : memref<136xf32, #tpu.memory_space<hbm>>) dst(%arg8 : memref<136xf32, #tpu.memory_space<vmem>>)
      tpu.yield
    }) : () -> ()
    %dma_wait3A = tpu.memref_slice %arg2[%mul3A_2] : memref<16384xi32, #tpu.memory_space<hbm>> -> memref<512xi32, #tpu.memory_space<hbm>>
    %dma_wait3A_4 = tpu.memref_slice %arg2[%mul3A_2] : memref<16384xi32, #tpu.memory_space<hbm>> -> memref<512xi32, #tpu.memory_space<hbm>>
    tpu.wait_dma2 semaphore(%arg10 : memref<!tpu.dma_semaphore, #tpu.memory_space<semaphore_mem>>) src(%dma_wait3A_4 : memref<512xi32, #tpu.memory_space<hbm>>) dst(%arg6 : memref<512xi32, #tpu.memory_space<vmem>>)
    %dma_start3A_5 = arith.constant 0 : i32
    %dma_start3A_6 = arith.constant 0 : i32
    %dma_start3A_7 = tpu.memref_slice %arg7[%dma_start3A_5, %dma_start3A_6] : memref<512x128xf32, #tpu.memory_space<vmem>> -> memref<256x128xf32, #tpu.memory_space<vmem>>
    %dma_start3A_8 = arith.constant 0 : i32
    %dma_start3A_9 = tpu.memref_slice %arg6[%dma_start3A_8] : memref<512xi32, #tpu.memory_space<vmem>> -> memref<256xi32, #tpu.memory_space<vmem>>
    %dma_start3A_10 = arith.constant 0 : i32
    %dma_start3A_11 = arith.constant 0 : i32
    %dma_start3A_12 = tpu.memref_slice %arg3[%dma_start3A_10, %dma_start3A_11] : memref<100000x128xf32, #tpu.memory_space<hbm>> -> memref<100000x128xf32, #tpu.memory_space<hbm>>
    tpu.enqueue_indirect_dma source(%dma_start3A_12 : memref<100000x128xf32, #tpu.memory_space<hbm>>) target(%dma_start3A_7 : memref<256x128xf32, #tpu.memory_space<vmem>>) offsets(%dma_start3A_9 : memref<256xi32, #tpu.memory_space<vmem>>) semaphore(%arg10 : memref<!tpu.dma_semaphore, #tpu.memory_space<semaphore_mem>>)
    %dma_start3A_13 = arith.constant 256 : i32
    %dma_start3A_14 = arith.constant 0 : i32
    %dma_start3A_15 = tpu.memref_slice %arg7[%dma_start3A_13, %dma_start3A_14] : memref<512x128xf32, #tpu.memory_space<vmem>> -> memref<256x128xf32, #tpu.memory_space<vmem>>
    %dma_start3A_16 = arith.constant 256 : i32
    %dma_start3A_17 = tpu.memref_slice %arg6[%dma_start3A_16] : memref<512xi32, #tpu.memory_space<vmem>> -> memref<256xi32, #tpu.memory_space<vmem>>
    %dma_start3A_18 = arith.constant 0 : i32
    %dma_start3A_19 = arith.constant 0 : i32
    %dma_start3A_20 = tpu.memref_slice %arg3[%dma_start3A_18, %dma_start3A_19] : memref<100000x128xf32, #tpu.memory_space<hbm>> -> memref<100000x128xf32, #tpu.memory_space<hbm>>
    tpu.enqueue_indirect_dma source(%dma_start3A_20 : memref<100000x128xf32, #tpu.memory_space<hbm>>) target(%dma_start3A_15 : memref<256x128xf32, #tpu.memory_space<vmem>>) offsets(%dma_start3A_17 : memref<256xi32, #tpu.memory_space<vmem>>) semaphore(%arg10 : memref<!tpu.dma_semaphore, #tpu.memory_space<semaphore_mem>>)
    %get3A = arith.constant 0 : index
    %get3A_21 = tpu.vector_load %arg8[%get3A] {strides = array<i32>} : memref<136xf32, #tpu.memory_space<vmem>>, vector<16xf32>,
    %get3A_22 = arith.constant 16 : index
    %get3A_23 = tpu.vector_load %arg8[%get3A_22] {strides = array<i32>} : memref<136xf32, #tpu.memory_space<vmem>>, vector<16xf32>,
    %get3A_24 = arith.constant 32 : index
    %get3A_25 = tpu.vector_load %arg8[%get3A_24] {strides = array<i32>} : memref<136xf32, #tpu.memory_space<vmem>>, vector<16xf32>,
    %get3A_26 = arith.constant 48 : index
    %get3A_27 = tpu.vector_load %arg8[%get3A_26] {strides = array<i32>} : memref<136xf32, #tpu.memory_space<vmem>>, vector<16xf32>,
    %get3A_28 = arith.constant 64 : index
    %get3A_29 = tpu.vector_load %arg8[%get3A_28] {strides = array<i32>} : memref<136xf32, #tpu.memory_space<vmem>>, vector<16xf32>,
    %get3A_30 = arith.constant 80 : index
    %get3A_31 = tpu.vector_load %arg8[%get3A_30] {strides = array<i32>} : memref<136xf32, #tpu.memory_space<vmem>>, vector<16xf32>,
    %get3A_32 = arith.constant 96 : index
    %get3A_33 = tpu.vector_load %arg8[%get3A_32] {strides = array<i32>} : memref<136xf32, #tpu.memory_space<vmem>>, vector<16xf32>,
    %get3A_34 = arith.constant 112 : index
    %get3A_35 = tpu.vector_load %arg8[%get3A_34] {strides = array<i32>} : memref<136xf32, #tpu.memory_space<vmem>>, vector<16xf32>,
    %iota3A = tpu.iota {dimensions = array<i32: 0>} : vector<16xi32>
    %broadcast_in_dim3A = arith.constant 0 : i32
    %broadcast_in_dim3A_36 = vector.broadcast %broadcast_in_dim3A : i32 to vector<16xi32>
    %add3A_37 = arith.constant 128 : i32
    %add3A_38 = vector.broadcast %add3A_37 : i32 to vector<16xi32>
    %add3A_39 = arith.addi %broadcast_in_dim3A_36, %add3A_38 : vector<16xi32>
    %gather3A = tpu.vector_load_idx %arg8[%add3A_39] : memref<136xf32, #tpu.memory_space<vmem>>[vector<16xi32>], vector<16xf32>,
    %lt3A = arith.constant 8 : i32
    %lt3A_40 = vector.broadcast %lt3A : i32 to vector<16xi32>
    %lt3A_41 = arith.cmpi slt, %iota3A, %lt3A_40 : vector<16xi32>
    %xor3A = arith.constant 8 : i32
    %xor3A_42 = vector.broadcast %xor3A : i32 to vector<16xi32>
    %xor3A_43 = arith.xori %iota3A, %xor3A_42 : vector<16xi32>
    %xor3A_44 = arith.constant 4 : i32
    %xor3A_45 = vector.broadcast %xor3A_44 : i32 to vector<16xi32>
    %xor3A_46 = arith.xori %iota3A, %xor3A_45 : vector<16xi32>
    %xor3A_47 = arith.constant 2 : i32
    %xor3A_48 = vector.broadcast %xor3A_47 : i32 to vector<16xi32>
    %xor3A_49 = arith.xori %iota3A, %xor3A_48 : vector<16xi32>
    %xor3A_50 = arith.constant 1 : i32
    %xor3A_51 = vector.broadcast %xor3A_50 : i32 to vector<16xi32>
    %xor3A_52 = arith.xori %iota3A, %xor3A_51 : vector<16xi32>
    %and3A = arith.constant 7 : i32
    %and3A_53 = vector.broadcast %and3A : i32 to vector<16xi32>
    %and3A_54 = arith.andi %iota3A, %and3A_53 : vector<16xi32>
    %and3A_55 = arith.constant 3 : i32
    %and3A_56 = vector.broadcast %and3A_55 : i32 to vector<16xi32>
    %and3A_57 = arith.andi %and3A_54, %and3A_56 : vector<16xi32>
    %and3A_58 = arith.constant 4 : i32
    %and3A_59 = vector.broadcast %and3A_58 : i32 to vector<16xi32>
    %and3A_60 = arith.andi %and3A_54, %and3A_59 : vector<16xi32>
    %shift_left3A = arith.constant 1 : i32
    %shift_left3A_61 = vector.broadcast %shift_left3A : i32 to vector<16xi32>
    %shift_left3A_62 = arith.shli %and3A_60, %shift_left3A_61 : vector<16xi32>
    %or3A = arith.ori %and3A_57, %shift_left3A_62 : vector<16xi32>
    %and3A_63 = arith.constant 1 : i32
    %and3A_64 = vector.broadcast %and3A_63 : i32 to vector<16xi32>
    %and3A_65 = arith.andi %and3A_54, %and3A_64 : vector<16xi32>
    %shift_right_arithmetic3A = arith.constant 1 : i32
    %shift_right_arithmetic3A_66 = vector.broadcast %shift_right_arithmetic3A : i32 to vector<16xi32>
    %shift_right_arithmetic3A_67 = arith.shrsi %and3A_54, %shift_right_arithmetic3A_66 : vector<16xi32>
    %shift_left3A_68 = arith.constant 2 : i32
    %shift_left3A_69 = vector.broadcast %shift_left3A_68 : i32 to vector<16xi32>
    %shift_left3A_70 = arith.shli %shift_right_arithmetic3A_67, %shift_left3A_69 : vector<16xi32>
    %or3A_71 = arith.ori %and3A_65, %shift_left3A_70 : vector<16xi32>
    %shift_left3A_72 = arith.constant 1 : i32
    %shift_left3A_73 = vector.broadcast %shift_left3A_72 : i32 to vector<16xi32>
    %shift_left3A_74 = arith.shli %and3A_54, %shift_left3A_73 : vector<16xi32>
    %dma_wait3A_75 = arith.constant 0 : i32
    %dma_wait3A_76 = arith.constant 0 : i32
    %dma_wait3A_77 = tpu.memref_slice %arg7[%dma_wait3A_75, %dma_wait3A_76] : memref<512x128xf32, #tpu.memory_space<vmem>> -> memref<256x128xf32, #tpu.memory_space<vmem>>
    %dma_wait3A_78 = arith.constant 0 : i32
    %dma_wait3A_79 = tpu.memref_slice %arg6[%dma_wait3A_78] : memref<512xi32, #tpu.memory_space<vmem>> -> memref<256xi32, #tpu.memory_space<vmem>>
    %dma_wait3A_80 = arith.constant 0 : i32
    %dma_wait3A_81 = arith.constant 0 : i32
    %dma_wait3A_82 = tpu.memref_slice %arg3[%dma_wait3A_80, %dma_wait3A_81] : memref<100000x128xf32, #tpu.memory_space<hbm>> -> memref<100000x128xf32, #tpu.memory_space<hbm>>
    tpu.wait_indirect_dma semaphore(%arg10 : memref<!tpu.dma_semaphore, #tpu.memory_space<semaphore_mem>>) src(%dma_wait3A_82 : memref<100000x128xf32, #tpu.memory_space<hbm>>) dst(%dma_wait3A_77 : memref<256x128xf32, #tpu.memory_space<vmem>>)
    %dma_wait3A_83 = arith.constant 256 : i32
    %dma_wait3A_84 = arith.constant 0 : i32
    %dma_wait3A_85 = tpu.memref_slice %arg7[%dma_wait3A_83, %dma_wait3A_84] : memref<512x128xf32, #tpu.memory_space<vmem>> -> memref<256x128xf32, #tpu.memory_space<vmem>>
    %dma_wait3A_86 = arith.constant 256 : i32
    %dma_wait3A_87 = tpu.memref_slice %arg6[%dma_wait3A_86] : memref<512xi32, #tpu.memory_space<vmem>> -> memref<256xi32, #tpu.memory_space<vmem>>
    %dma_wait3A_88 = arith.constant 0 : i32
    %dma_wait3A_89 = arith.constant 0 : i32
    %dma_wait3A_90 = tpu.memref_slice %arg3[%dma_wait3A_88, %dma_wait3A_89] : memref<100000x128xf32, #tpu.memory_space<hbm>> -> memref<100000x128xf32, #tpu.memory_space<hbm>>
    tpu.wait_indirect_dma semaphore(%arg10 : memref<!tpu.dma_semaphore, #tpu.memory_space<semaphore_mem>>) src(%dma_wait3A_90 : memref<100000x128xf32, #tpu.memory_space<hbm>>) dst(%dma_wait3A_85 : memref<256x128xf32, #tpu.memory_space<vmem>>)
    %parallel_loop3A = arith.constant 0 : i32
    %parallel_loop3A_91 = arith.constant 32 : i32
    %parallel_loop3A_92 = arith.constant 1 : i32
    scf.for %parallel_loop3A_93 = %parallel_loop3A to %parallel_loop3A_91 step %parallel_loop3A_92  : i32 {
      %parallel_loop3A_94 = arith.constant 16 : i32
      %parallel_loop3A_95 = arith.muli %parallel_loop3A_93, %parallel_loop3A_94 : i32
      %parallel_loop3A_96 = arith.constant 0 : i32
      %parallel_loop3A_97 = arith.addi %parallel_loop3A_95, %parallel_loop3A_96 : i32
      %parallel_loop3A_98 = arith.index_cast %parallel_loop3A_97 : i32 to index
      %parallel_loop3A_99 = arith.constant 0 : index
      %parallel_loop3A_100 = tpu.vector_load %arg7[%parallel_loop3A_98, %parallel_loop3A_99] {strides = array<i32>} : memref<512x128xf32, #tpu.memory_space<vmem>>, vector<16xf32>,
      %parallel_loop3A_101 = arith.mulf %parallel_loop3A_100, %get3A_21 : vector<16xf32>
      %parallel_loop3A_102 = arith.constant 0 : i32
      %parallel_loop3A_103 = arith.addi %parallel_loop3A_95, %parallel_loop3A_102 : i32
      %parallel_loop3A_104 = arith.index_cast %parallel_loop3A_103 : i32 to index
      %parallel_loop3A_105 = arith.constant 16 : index
      %parallel_loop3A_106 = tpu.vector_load %arg7[%parallel_loop3A_104, %parallel_loop3A_105] {strides = array<i32>} : memref<512x128xf32, #tpu.memory_space<vmem>>, vector<16xf32>,
      %parallel_loop3A_107 = arith.mulf %parallel_loop3A_106, %get3A_23 : vector<16xf32>
      %parallel_loop3A_108 = arith.addf %parallel_loop3A_107, %parallel_loop3A_101 : vector<16xf32>
      %parallel_loop3A_109 = arith.constant 0 : i32
      %parallel_loop3A_110 = arith.addi %parallel_loop3A_95, %parallel_loop3A_109 : i32
      %parallel_loop3A_111 = arith.index_cast %parallel_loop3A_110 : i32 to index
      %parallel_loop3A_112 = arith.constant 32 : index
      %parallel_loop3A_113 = tpu.vector_load %arg7[%parallel_loop3A_111, %parallel_loop3A_112] {strides = array<i32>} : memref<512x128xf32, #tpu.memory_space<vmem>>, vector<16xf32>,
      %parallel_loop3A_114 = arith.mulf %parallel_loop3A_113, %get3A_25 : vector<16xf32>
      %parallel_loop3A_115 = arith.addf %parallel_loop3A_114, %parallel_loop3A_108 : vector<16xf32>
      %parallel_loop3A_116 = arith.constant 0 : i32
      %parallel_loop3A_117 = arith.addi %parallel_loop3A_95, %parallel_loop3A_116 : i32
      %parallel_loop3A_118 = arith.index_cast %parallel_loop3A_117 : i32 to index
      %parallel_loop3A_119 = arith.constant 48 : index
      %parallel_loop3A_120 = tpu.vector_load %arg7[%parallel_loop3A_118, %parallel_loop3A_119] {strides = array<i32>} : memref<512x128xf32, #tpu.memory_space<vmem>>, vector<16xf32>,
      %parallel_loop3A_121 = arith.mulf %parallel_loop3A_120, %get3A_27 : vector<16xf32>
      %parallel_loop3A_122 = arith.addf %parallel_loop3A_121, %parallel_loop3A_115 : vector<16xf32>
      %parallel_loop3A_123 = arith.constant 0 : i32
      %parallel_loop3A_124 = arith.addi %parallel_loop3A_95, %parallel_loop3A_123 : i32
      %parallel_loop3A_125 = arith.index_cast %parallel_loop3A_124 : i32 to index
      %parallel_loop3A_126 = arith.constant 64 : index
      %parallel_loop3A_127 = tpu.vector_load %arg7[%parallel_loop3A_125, %parallel_loop3A_126] {strides = array<i32>} : memref<512x128xf32, #tpu.memory_space<vmem>>, vector<16xf32>,
      %parallel_loop3A_128 = arith.mulf %parallel_loop3A_127, %get3A_29 : vector<16xf32>
      %parallel_loop3A_129 = arith.addf %parallel_loop3A_128, %parallel_loop3A_122 : vector<16xf32>
      %parallel_loop3A_130 = arith.constant 0 : i32
      %parallel_loop3A_131 = arith.addi %parallel_loop3A_95, %parallel_loop3A_130 : i32
      %parallel_loop3A_132 = arith.index_cast %parallel_loop3A_131 : i32 to index
      %parallel_loop3A_133 = arith.constant 80 : index
      %parallel_loop3A_134 = tpu.vector_load %arg7[%parallel_loop3A_132, %parallel_loop3A_133] {strides = array<i32>} : memref<512x128xf32, #tpu.memory_space<vmem>>, vector<16xf32>,
      %parallel_loop3A_135 = arith.mulf %parallel_loop3A_134, %get3A_31 : vector<16xf32>
      %parallel_loop3A_136 = arith.addf %parallel_loop3A_135, %parallel_loop3A_129 : vector<16xf32>
      %parallel_loop3A_137 = arith.constant 0 : i32
      %parallel_loop3A_138 = arith.addi %parallel_loop3A_95, %parallel_loop3A_137 : i32
      %parallel_loop3A_139 = arith.index_cast %parallel_loop3A_138 : i32 to index
      %parallel_loop3A_140 = arith.constant 96 : index
      %parallel_loop3A_141 = tpu.vector_load %arg7[%parallel_loop3A_139, %parallel_loop3A_140] {strides = array<i32>} : memref<512x128xf32, #tpu.memory_space<vmem>>, vector<16xf32>,
      %parallel_loop3A_142 = arith.mulf %parallel_loop3A_141, %get3A_33 : vector<16xf32>
      %parallel_loop3A_143 = arith.addf %parallel_loop3A_142, %parallel_loop3A_136 : vector<16xf32>
      %parallel_loop3A_144 = arith.constant 0 : i32
      %parallel_loop3A_145 = arith.addi %parallel_loop3A_95, %parallel_loop3A_144 : i32
      %parallel_loop3A_146 = arith.index_cast %parallel_loop3A_145 : i32 to index
      %parallel_loop3A_147 = arith.constant 112 : index
      %parallel_loop3A_148 = tpu.vector_load %arg7[%parallel_loop3A_146, %parallel_loop3A_147] {strides = array<i32>} : memref<512x128xf32, #tpu.memory_space<vmem>>, vector<16xf32>,
      %parallel_loop3A_149 = arith.mulf %parallel_loop3A_148, %get3A_35 : vector<16xf32>
      %parallel_loop3A_150 = arith.addf %parallel_loop3A_149, %parallel_loop3A_143 : vector<16xf32>
      %parallel_loop3A_151 = arith.constant 1 : i32
      %parallel_loop3A_152 = arith.addi %parallel_loop3A_95, %parallel_loop3A_151 : i32
      %parallel_loop3A_153 = arith.index_cast %parallel_loop3A_152 : i32 to index
      %parallel_loop3A_154 = arith.constant 0 : index
      %parallel_loop3A_155 = tpu.vector_load %arg7[%parallel_loop3A_153, %parallel_loop3A_154] {strides = array<i32>} : memref<512x128xf32, #tpu.memory_space<vmem>>, vector<16xf32>,
      %parallel_loop3A_156 = arith.mulf %parallel_loop3A_155, %get3A_21 : vector<16xf32>
      %parallel_loop3A_157 = arith.constant 1 : i32
      %parallel_loop3A_158 = arith.addi %parallel_loop3A_95, %parallel_loop3A_157 : i32
      %parallel_loop3A_159 = arith.index_cast %parallel_loop3A_158 : i32 to index
      %parallel_loop3A_160 = arith.constant 16 : index
      %parallel_loop3A_161 = tpu.vector_load %arg7[%parallel_loop3A_159, %parallel_loop3A_160] {strides = array<i32>} : memref<512x128xf32, #tpu.memory_space<vmem>>, vector<16xf32>,
      %parallel_loop3A_162 = arith.mulf %parallel_loop3A_161, %get3A_23 : vector<16xf32>
      %parallel_loop3A_163 = arith.addf %parallel_loop3A_162, %parallel_loop3A_156 : vector<16xf32>
      %parallel_loop3A_164 = arith.constant 1 : i32
      %parallel_loop3A_165 = arith.addi %parallel_loop3A_95, %parallel_loop3A_164 : i32
      %parallel_loop3A_166 = arith.index_cast %parallel_loop3A_165 : i32 to index
      %parallel_loop3A_167 = arith.constant 32 : index
      %parallel_loop3A_168 = tpu.vector_load %arg7[%parallel_loop3A_166, %parallel_loop3A_167] {strides = array<i32>} : memref<512x128xf32, #tpu.memory_space<vmem>>, vector<16xf32>,
      %parallel_loop3A_169 = arith.mulf %parallel_loop3A_168, %get3A_25 : vector<16xf32>
      %parallel_loop3A_170 = arith.addf %parallel_loop3A_169, %parallel_loop3A_163 : vector<16xf32>
      %parallel_loop3A_171 = arith.constant 1 : i32
      %parallel_loop3A_172 = arith.addi %parallel_loop3A_95, %parallel_loop3A_171 : i32
      %parallel_loop3A_173 = arith.index_cast %parallel_loop3A_172 : i32 to index
      %parallel_loop3A_174 = arith.constant 48 : index
      %parallel_loop3A_175 = tpu.vector_load %arg7[%parallel_loop3A_173, %parallel_loop3A_174] {strides = array<i32>} : memref<512x128xf32, #tpu.memory_space<vmem>>, vector<16xf32>,
      %parallel_loop3A_176 = arith.mulf %parallel_loop3A_175, %get3A_27 : vector<16xf32>
      %parallel_loop3A_177 = arith.addf %parallel_loop3A_176, %parallel_loop3A_170 : vector<16xf32>
      %parallel_loop3A_178 = arith.constant 1 : i32
      %parallel_loop3A_179 = arith.addi %parallel_loop3A_95, %parallel_loop3A_178 : i32
      %parallel_loop3A_180 = arith.index_cast %parallel_loop3A_179 : i32 to index
      %parallel_loop3A_181 = arith.constant 64 : index
      %parallel_loop3A_182 = tpu.vector_load %arg7[%parallel_loop3A_180, %parallel_loop3A_181] {strides = array<i32>} : memref<512x128xf32, #tpu.memory_space<vmem>>, vector<16xf32>,
      %parallel_loop3A_183 = arith.mulf %parallel_loop3A_182, %get3A_29 : vector<16xf32>
      %parallel_loop3A_184 = arith.addf %parallel_loop3A_183, %parallel_loop3A_177 : vector<16xf32>
      %parallel_loop3A_185 = arith.constant 1 : i32
      %parallel_loop3A_186 = arith.addi %parallel_loop3A_95, %parallel_loop3A_185 : i32
      %parallel_loop3A_187 = arith.index_cast %parallel_loop3A_186 : i32 to index
      %parallel_loop3A_188 = arith.constant 80 : index
      %parallel_loop3A_189 = tpu.vector_load %arg7[%parallel_loop3A_187, %parallel_loop3A_188] {strides = array<i32>} : memref<512x128xf32, #tpu.memory_space<vmem>>, vector<16xf32>,
      %parallel_loop3A_190 = arith.mulf %parallel_loop3A_189, %get3A_31 : vector<16xf32>
      %parallel_loop3A_191 = arith.addf %parallel_loop3A_190, %parallel_loop3A_184 : vector<16xf32>
      %parallel_loop3A_192 = arith.constant 1 : i32
      %parallel_loop3A_193 = arith.addi %parallel_loop3A_95, %parallel_loop3A_192 : i32
      %parallel_loop3A_194 = arith.index_cast %parallel_loop3A_193 : i32 to index
      %parallel_loop3A_195 = arith.constant 96 : index
      %parallel_loop3A_196 = tpu.vector_load %arg7[%parallel_loop3A_194, %parallel_loop3A_195] {strides = array<i32>} : memref<512x128xf32, #tpu.memory_space<vmem>>, vector<16xf32>,
      %parallel_loop3A_197 = arith.mulf %parallel_loop3A_196, %get3A_33 : vector<16xf32>
      %parallel_loop3A_198 = arith.addf %parallel_loop3A_197, %parallel_loop3A_191 : vector<16xf32>
      %parallel_loop3A_199 = arith.constant 1 : i32
      %parallel_loop3A_200 = arith.addi %parallel_loop3A_95, %parallel_loop3A_199 : i32
      %parallel_loop3A_201 = arith.index_cast %parallel_loop3A_200 : i32 to index
      %parallel_loop3A_202 = arith.constant 112 : index
      %parallel_loop3A_203 = tpu.vector_load %arg7[%parallel_loop3A_201, %parallel_loop3A_202] {strides = array<i32>} : memref<512x128xf32, #tpu.memory_space<vmem>>, vector<16xf32>,
      %parallel_loop3A_204 = arith.mulf %parallel_loop3A_203, %get3A_35 : vector<16xf32>
      %parallel_loop3A_205 = arith.addf %parallel_loop3A_204, %parallel_loop3A_198 : vector<16xf32>
      %parallel_loop3A_206 = arith.constant 0 : i32
      %parallel_loop3A_207 = vector.broadcast %parallel_loop3A_206 : i32 to vector<16xi32>
      %parallel_loop3A_208 = arith.cmpi slt, %xor3A_43, %parallel_loop3A_207 : vector<16xi32>
      %parallel_loop3A_209 = arith.constant 16 : i32
      %parallel_loop3A_210 = vector.broadcast %parallel_loop3A_209 : i32 to vector<16xi32>
      %parallel_loop3A_211 = arith.addi %xor3A_43, %parallel_loop3A_210 : vector<16xi32>
      %parallel_loop3A_212 = arith.select %parallel_loop3A_208, %parallel_loop3A_211, %xor3A_43 : vector<16xi1>, vector<16xi32>
      %parallel_loop3A_213 = vector.shape_cast %parallel_loop3A_212 : vector<16xi32> to vector<16x1xi32>
      %parallel_loop3A_214 = vector.shape_cast %parallel_loop3A_213 : vector<16x1xi32> to vector<16xi32>
      %parallel_loop3A_215 = tpu.dynamic_gather %parallel_loop3A_150[%parallel_loop3A_214] in [0] : vector<16xf32>, vector<16xi32> -> vector<16xf32>
      %parallel_loop3A_216 = arith.addf %parallel_loop3A_150, %parallel_loop3A_215 : vector<16xf32>
      %parallel_loop3A_217 = arith.constant 0 : i32
      %parallel_loop3A_218 = vector.broadcast %parallel_loop3A_217 : i32 to vector<16xi32>
      %parallel_loop3A_219 = arith.cmpi slt, %xor3A_43, %parallel_loop3A_218 : vector<16xi32>
      %parallel_loop3A_220 = arith.constant 16 : i32
      %parallel_loop3A_221 = vector.broadcast %parallel_loop3A_220 : i32 to vector<16xi32>
      %parallel_loop3A_222 = arith.addi %xor3A_43, %parallel_loop3A_221 : vector<16xi32>
      %parallel_loop3A_223 = arith.select %parallel_loop3A_219, %parallel_loop3A_222, %xor3A_43 : vector<16xi1>, vector<16xi32>
      %parallel_loop3A_224 = vector.shape_cast %parallel_loop3A_223 : vector<16xi32> to vector<16x1xi32>
      %parallel_loop3A_225 = vector.shape_cast %parallel_loop3A_224 : vector<16x1xi32> to vector<16xi32>
      %parallel_loop3A_226 = tpu.dynamic_gather %parallel_loop3A_205[%parallel_loop3A_225] in [0] : vector<16xf32>, vector<16xi32> -> vector<16xf32>
      %parallel_loop3A_227 = arith.addf %parallel_loop3A_205, %parallel_loop3A_226 : vector<16xf32>
      %parallel_loop3A_228 = arith.select %lt3A_41, %parallel_loop3A_216, %parallel_loop3A_227 : vector<16xi1>, vector<16xf32>
      %parallel_loop3A_229 = arith.constant 2 : i32
      %parallel_loop3A_230 = arith.addi %parallel_loop3A_95, %parallel_loop3A_229 : i32
      %parallel_loop3A_231 = arith.index_cast %parallel_loop3A_230 : i32 to index
      %parallel_loop3A_232 = arith.constant 0 : index
      %parallel_loop3A_233 = tpu.vector_load %arg7[%parallel_loop3A_231, %parallel_loop3A_232] {strides = array<i32>} : memref<512x128xf32, #tpu.memory_space<vmem>>, vector<16xf32>,
      %parallel_loop3A_234 = arith.mulf %parallel_loop3A_233, %get3A_21 : vector<16xf32>
      %parallel_loop3A_235 = arith.constant 2 : i32
      %parallel_loop3A_236 = arith.addi %parallel_loop3A_95, %parallel_loop3A_235 : i32
      %parallel_loop3A_237 = arith.index_cast %parallel_loop3A_236 : i32 to index
      %parallel_loop3A_238 = arith.constant 16 : index
      %parallel_loop3A_239 = tpu.vector_load %arg7[%parallel_loop3A_237, %parallel_loop3A_238] {strides = array<i32>} : memref<512x128xf32, #tpu.memory_space<vmem>>, vector<16xf32>,
      %parallel_loop3A_240 = arith.mulf %parallel_loop3A_239, %get3A_23 : vector<16xf32>
      %parallel_loop3A_241 = arith.addf %parallel_loop3A_240, %parallel_loop3A_234 : vector<16xf32>
      %parallel_loop3A_242 = arith.constant 2 : i32
      %parallel_loop3A_243 = arith.addi %parallel_loop3A_95, %parallel_loop3A_242 : i32
      %parallel_loop3A_244 = arith.index_cast %parallel_loop3A_243 : i32 to index
      %parallel_loop3A_245 = arith.constant 32 : index
      %parallel_loop3A_246 = tpu.vector_load %arg7[%parallel_loop3A_244, %parallel_loop3A_245] {strides = array<i32>} : memref<512x128xf32, #tpu.memory_space<vmem>>, vector<16xf32>,
      %parallel_loop3A_247 = arith.mulf %parallel_loop3A_246, %get3A_25 : vector<16xf32>
      %parallel_loop3A_248 = arith.addf %parallel_loop3A_247, %parallel_loop3A_241 : vector<16xf32>
      %parallel_loop3A_249 = arith.constant 2 : i32
      %parallel_loop3A_250 = arith.addi %parallel_loop3A_95, %parallel_loop3A_249 : i32
      %parallel_loop3A_251 = arith.index_cast %parallel_loop3A_250 : i32 to index
      %parallel_loop3A_252 = arith.constant 48 : index
      %parallel_loop3A_253 = tpu.vector_load %arg7[%parallel_loop3A_251, %parallel_loop3A_252] {strides = array<i32>} : memref<512x128xf32, #tpu.memory_space<vmem>>, vector<16xf32>,
      %parallel_loop3A_254 = arith.mulf %parallel_loop3A_253, %get3A_27 : vector<16xf32>
      %parallel_loop3A_255 = arith.addf %parallel_loop3A_254, %parallel_loop3A_248 : vector<16xf32>
      %parallel_loop3A_256 = arith.constant 2 : i32
      %parallel_loop3A_257 = arith.addi %parallel_loop3A_95, %parallel_loop3A_256 : i32
      %parallel_loop3A_258 = arith.index_cast %parallel_loop3A_257 : i32 to index
      %parallel_loop3A_259 = arith.constant 64 : index
      %parallel_loop3A_260 = tpu.vector_load %arg7[%parallel_loop3A_258, %parallel_loop3A_259] {strides = array<i32>} : memref<512x128xf32, #tpu.memory_space<vmem>>, vector<16xf32>,
      %parallel_loop3A_261 = arith.mulf %parallel_loop3A_260, %get3A_29 : vector<16xf32>
      %parallel_loop3A_262 = arith.addf %parallel_loop3A_261, %parallel_loop3A_255 : vector<16xf32>
      %parallel_loop3A_263 = arith.constant 2 : i32
      %parallel_loop3A_264 = arith.addi %parallel_loop3A_95, %parallel_loop3A_263 : i32
      %parallel_loop3A_265 = arith.index_cast %parallel_loop3A_264 : i32 to index
      %parallel_loop3A_266 = arith.constant 80 : index
      %parallel_loop3A_267 = tpu.vector_load %arg7[%parallel_loop3A_265, %parallel_loop3A_266] {strides = array<i32>} : memref<512x128xf32, #tpu.memory_space<vmem>>, vector<16xf32>,
      %parallel_loop3A_268 = arith.mulf %parallel_loop3A_267, %get3A_31 : vector<16xf32>
      %parallel_loop3A_269 = arith.addf %parallel_loop3A_268, %parallel_loop3A_262 : vector<16xf32>
      %parallel_loop3A_270 = arith.constant 2 : i32
      %parallel_loop3A_271 = arith.addi %parallel_loop3A_95, %parallel_loop3A_270 : i32
      %parallel_loop3A_272 = arith.index_cast %parallel_loop3A_271 : i32 to index
      %parallel_loop3A_273 = arith.constant 96 : index
      %parallel_loop3A_274 = tpu.vector_load %arg7[%parallel_loop3A_272, %parallel_loop3A_273] {strides = array<i32>} : memref<512x128xf32, #tpu.memory_space<vmem>>, vector<16xf32>,
      %parallel_loop3A_275 = arith.mulf %parallel_loop3A_274, %get3A_33 : vector<16xf32>
      %parallel_loop3A_276 = arith.addf %parallel_loop3A_275, %parallel_loop3A_269 : vector<16xf32>
      %parallel_loop3A_277 = arith.constant 2 : i32
      %parallel_loop3A_278 = arith.addi %parallel_loop3A_95, %parallel_loop3A_277 : i32
      %parallel_loop3A_279 = arith.index_cast %parallel_loop3A_278 : i32 to index
      %parallel_loop3A_280 = arith.constant 112 : index
      %parallel_loop3A_281 = tpu.vector_load %arg7[%parallel_loop3A_279, %parallel_loop3A_280] {strides = array<i32>} : memref<512x128xf32, #tpu.memory_space<vmem>>, vector<16xf32>,
      %parallel_loop3A_282 = arith.mulf %parallel_loop3A_281, %get3A_35 : vector<16xf32>
      %parallel_loop3A_283 = arith.addf %parallel_loop3A_282, %parallel_loop3A_276 : vector<16xf32>
      %parallel_loop3A_284 = arith.constant 3 : i32
      %parallel_loop3A_285 = arith.addi %parallel_loop3A_95, %parallel_loop3A_284 : i32
      %parallel_loop3A_286 = arith.index_cast %parallel_loop3A_285 : i32 to index
      %parallel_loop3A_287 = arith.constant 0 : index
      %parallel_loop3A_288 = tpu.vector_load %arg7[%parallel_loop3A_286, %parallel_loop3A_287] {strides = array<i32>} : memref<512x128xf32, #tpu.memory_space<vmem>>, vector<16xf32>,
      %parallel_loop3A_289 = arith.mulf %parallel_loop3A_288, %get3A_21 : vector<16xf32>
      %parallel_loop3A_290 = arith.constant 3 : i32
      %parallel_loop3A_291 = arith.addi %parallel_loop3A_95, %parallel_loop3A_290 : i32
      %parallel_loop3A_292 = arith.index_cast %parallel_loop3A_291 : i32 to index
      %parallel_loop3A_293 = arith.constant 16 : index
      %parallel_loop3A_294 = tpu.vector_load %arg7[%parallel_loop3A_292, %parallel_loop3A_293] {strides = array<i32>} : memref<512x128xf32, #tpu.memory_space<vmem>>, vector<16xf32>,
      %parallel_loop3A_295 = arith.mulf %parallel_loop3A_294, %get3A_23 : vector<16xf32>
      %parallel_loop3A_296 = arith.addf %parallel_loop3A_295, %parallel_loop3A_289 : vector<16xf32>
      %parallel_loop3A_297 = arith.constant 3 : i32
      %parallel_loop3A_298 = arith.addi %parallel_loop3A_95, %parallel_loop3A_297 : i32
      %parallel_loop3A_299 = arith.index_cast %parallel_loop3A_298 : i32 to index
      %parallel_loop3A_300 = arith.constant 32 : index
      %parallel_loop3A_301 = tpu.vector_load %arg7[%parallel_loop3A_299, %parallel_loop3A_300] {strides = array<i32>} : memref<512x128xf32, #tpu.memory_space<vmem>>, vector<16xf32>,
      %parallel_loop3A_302 = arith.mulf %parallel_loop3A_301, %get3A_25 : vector<16xf32>
      %parallel_loop3A_303 = arith.addf %parallel_loop3A_302, %parallel_loop3A_296 : vector<16xf32>
      %parallel_loop3A_304 = arith.constant 3 : i32
      %parallel_loop3A_305 = arith.addi %parallel_loop3A_95, %parallel_loop3A_304 : i32
      %parallel_loop3A_306 = arith.index_cast %parallel_loop3A_305 : i32 to index
      %parallel_loop3A_307 = arith.constant 48 : index
      %parallel_loop3A_308 = tpu.vector_load %arg7[%parallel_loop3A_306, %parallel_loop3A_307] {strides = array<i32>} : memref<512x128xf32, #tpu.memory_space<vmem>>, vector<16xf32>,
      %parallel_loop3A_309 = arith.mulf %parallel_loop3A_308, %get3A_27 : vector<16xf32>
      %parallel_loop3A_310 = arith.addf %parallel_loop3A_309, %parallel_loop3A_303 : vector<16xf32>
      %parallel_loop3A_311 = arith.constant 3 : i32
      %parallel_loop3A_312 = arith.addi %parallel_loop3A_95, %parallel_loop3A_311 : i32
      %parallel_loop3A_313 = arith.index_cast %parallel_loop3A_312 : i32 to index
      %parallel_loop3A_314 = arith.constant 64 : index
      %parallel_loop3A_315 = tpu.vector_load %arg7[%parallel_loop3A_313, %parallel_loop3A_314] {strides = array<i32>} : memref<512x128xf32, #tpu.memory_space<vmem>>, vector<16xf32>,
      %parallel_loop3A_316 = arith.mulf %parallel_loop3A_315, %get3A_29 : vector<16xf32>
      %parallel_loop3A_317 = arith.addf %parallel_loop3A_316, %parallel_loop3A_310 : vector<16xf32>
      %parallel_loop3A_318 = arith.constant 3 : i32
      %parallel_loop3A_319 = arith.addi %parallel_loop3A_95, %parallel_loop3A_318 : i32
      %parallel_loop3A_320 = arith.index_cast %parallel_loop3A_319 : i32 to index
      %parallel_loop3A_321 = arith.constant 80 : index
      %parallel_loop3A_322 = tpu.vector_load %arg7[%parallel_loop3A_320, %parallel_loop3A_321] {strides = array<i32>} : memref<512x128xf32, #tpu.memory_space<vmem>>, vector<16xf32>,
      %parallel_loop3A_323 = arith.mulf %parallel_loop3A_322, %get3A_31 : vector<16xf32>
      %parallel_loop3A_324 = arith.addf %parallel_loop3A_323, %parallel_loop3A_317 : vector<16xf32>
      %parallel_loop3A_325 = arith.constant 3 : i32
      %parallel_loop3A_326 = arith.addi %parallel_loop3A_95, %parallel_loop3A_325 : i32
      %parallel_loop3A_327 = arith.index_cast %parallel_loop3A_326 : i32 to index
      %parallel_loop3A_328 = arith.constant 96 : index
      %parallel_loop3A_329 = tpu.vector_load %arg7[%parallel_loop3A_327, %parallel_loop3A_328] {strides = array<i32>} : memref<512x128xf32, #tpu.memory_space<vmem>>, vector<16xf32>,
      %parallel_loop3A_330 = arith.mulf %parallel_loop3A_329, %get3A_33 : vector<16xf32>
      %parallel_loop3A_331 = arith.addf %parallel_loop3A_330, %parallel_loop3A_324 : vector<16xf32>
      %parallel_loop3A_332 = arith.constant 3 : i32
      %parallel_loop3A_333 = arith.addi %parallel_loop3A_95, %parallel_loop3A_332 : i32
      %parallel_loop3A_334 = arith.index_cast %parallel_loop3A_333 : i32 to index
      %parallel_loop3A_335 = arith.constant 112 : index
      %parallel_loop3A_336 = tpu.vector_load %arg7[%parallel_loop3A_334, %parallel_loop3A_335] {strides = array<i32>} : memref<512x128xf32, #tpu.memory_space<vmem>>, vector<16xf32>,
      %parallel_loop3A_337 = arith.mulf %parallel_loop3A_336, %get3A_35 : vector<16xf32>
      %parallel_loop3A_338 = arith.addf %parallel_loop3A_337, %parallel_loop3A_331 : vector<16xf32>
      %parallel_loop3A_339 = arith.constant 0 : i32
      %parallel_loop3A_340 = vector.broadcast %parallel_loop3A_339 : i32 to vector<16xi32>
      %parallel_loop3A_341 = arith.cmpi slt, %xor3A_43, %parallel_loop3A_340 : vector<16xi32>
      %parallel_loop3A_342 = arith.constant 16 : i32
      %parallel_loop3A_343 = vector.broadcast %parallel_loop3A_342 : i32 to vector<16xi32>
      %parallel_loop3A_344 = arith.addi %xor3A_43, %parallel_loop3A_343 : vector<16xi32>
      %parallel_loop3A_345 = arith.select %parallel_loop3A_341, %parallel_loop3A_344, %xor3A_43 : vector<16xi1>, vector<16xi32>
      %parallel_loop3A_346 = vector.shape_cast %parallel_loop3A_345 : vector<16xi32> to vector<16x1xi32>
      %parallel_loop3A_347 = vector.shape_cast %parallel_loop3A_346 : vector<16x1xi32> to vector<16xi32>
      %parallel_loop3A_348 = tpu.dynamic_gather %parallel_loop3A_283[%parallel_loop3A_347] in [0] : vector<16xf32>, vector<16xi32> -> vector<16xf32>
      %parallel_loop3A_349 = arith.addf %parallel_loop3A_283, %parallel_loop3A_348 : vector<16xf32>
      %parallel_loop3A_350 = arith.constant 0 : i32
      %parallel_loop3A_351 = vector.broadcast %parallel_loop3A_350 : i32 to vector<16xi32>
      %parallel_loop3A_352 = arith.cmpi slt, %xor3A_43, %parallel_loop3A_351 : vector<16xi32>
      %parallel_loop3A_353 = arith.constant 16 : i32
      %parallel_loop3A_354 = vector.broadcast %parallel_loop3A_353 : i32 to vector<16xi32>
      %parallel_loop3A_355 = arith.addi %xor3A_43, %parallel_loop3A_354 : vector<16xi32>
      %parallel_loop3A_356 = arith.select %parallel_loop3A_352, %parallel_loop3A_355, %xor3A_43 : vector<16xi1>, vector<16xi32>
      %parallel_loop3A_357 = vector.shape_cast %parallel_loop3A_356 : vector<16xi32> to vector<16x1xi32>
      %parallel_loop3A_358 = vector.shape_cast %parallel_loop3A_357 : vector<16x1xi32> to vector<16xi32>
      %parallel_loop3A_359 = tpu.dynamic_gather %parallel_loop3A_338[%parallel_loop3A_358] in [0] : vector<16xf32>, vector<16xi32> -> vector<16xf32>
      %parallel_loop3A_360 = arith.addf %parallel_loop3A_338, %parallel_loop3A_359 : vector<16xf32>
      %parallel_loop3A_361 = arith.select %lt3A_41, %parallel_loop3A_349, %parallel_loop3A_360 : vector<16xi1>, vector<16xf32>
      %parallel_loop3A_362 = arith.constant 0 : i32
      %parallel_loop3A_363 = vector.broadcast %parallel_loop3A_362 : i32 to vector<16xi32>
      %parallel_loop3A_364 = arith.cmpi slt, %xor3A_46, %parallel_loop3A_363 : vector<16xi32>
      %parallel_loop3A_365 = arith.constant 16 : i32
      %parallel_loop3A_366 = vector.broadcast %parallel_loop3A_365 : i32 to vector<16xi32>
      %parallel_loop3A_367 = arith.addi %xor3A_46, %parallel_loop3A_366 : vector<16xi32>
      %parallel_loop3A_368 = arith.select %parallel_loop3A_364, %parallel_loop3A_367, %xor3A_46 : vector<16xi1>, vector<16xi32>
      %parallel_loop3A_369 = vector.shape_cast %parallel_loop3A_368 : vector<16xi32> to vector<16x1xi32>
      %parallel_loop3A_370 = vector.shape_cast %parallel_loop3A_369 : vector<16x1xi32> to vector<16xi32>
      %parallel_loop3A_371 = tpu.dynamic_gather %parallel_loop3A_228[%parallel_loop3A_370] in [0] : vector<16xf32>, vector<16xi32> -> vector<16xf32>
      %parallel_loop3A_372 = arith.addf %parallel_loop3A_228, %parallel_loop3A_371 : vector<16xf32>
      %parallel_loop3A_373 = arith.constant 0 : i32
      %parallel_loop3A_374 = vector.broadcast %parallel_loop3A_373 : i32 to vector<16xi32>
      %parallel_loop3A_375 = arith.cmpi slt, %xor3A_46, %parallel_loop3A_374 : vector<16xi32>
      %parallel_loop3A_376 = arith.constant 16 : i32
      %parallel_loop3A_377 = vector.broadcast %parallel_loop3A_376 : i32 to vector<16xi32>
      %parallel_loop3A_378 = arith.addi %xor3A_46, %parallel_loop3A_377 : vector<16xi32>
      %parallel_loop3A_379 = arith.select %parallel_loop3A_375, %parallel_loop3A_378, %xor3A_46 : vector<16xi1>, vector<16xi32>
      %parallel_loop3A_380 = vector.shape_cast %parallel_loop3A_379 : vector<16xi32> to vector<16x1xi32>
      %parallel_loop3A_381 = vector.shape_cast %parallel_loop3A_380 : vector<16x1xi32> to vector<16xi32>
      %parallel_loop3A_382 = tpu.dynamic_gather %parallel_loop3A_361[%parallel_loop3A_381] in [0] : vector<16xf32>, vector<16xi32> -> vector<16xf32>
      %parallel_loop3A_383 = arith.addf %parallel_loop3A_361, %parallel_loop3A_382 : vector<16xf32>
      %parallel_loop3A_384 = arith.constant 0 : i32
      %parallel_loop3A_385 = vector.broadcast %parallel_loop3A_384 : i32 to vector<16xi32>
      %parallel_loop3A_386 = arith.cmpi slt, %or3A, %parallel_loop3A_385 : vector<16xi32>
      %parallel_loop3A_387 = arith.constant 16 : i32
      %parallel_loop3A_388 = vector.broadcast %parallel_loop3A_387 : i32 to vector<16xi32>
      %parallel_loop3A_389 = arith.addi %or3A, %parallel_loop3A_388 : vector<16xi32>
      %parallel_loop3A_390 = arith.select %parallel_loop3A_386, %parallel_loop3A_389, %or3A : vector<16xi1>, vector<16xi32>
      %parallel_loop3A_391 = vector.shape_cast %parallel_loop3A_390 : vector<16xi32> to vector<16x1xi32>
      %parallel_loop3A_392 = vector.shape_cast %parallel_loop3A_391 : vector<16x1xi32> to vector<16xi32>
      %parallel_loop3A_393 = tpu.dynamic_gather %parallel_loop3A_372[%parallel_loop3A_392] in [0] : vector<16xf32>, vector<16xi32> -> vector<16xf32>
      %parallel_loop3A_394 = arith.constant 0 : i32
      %parallel_loop3A_395 = vector.broadcast %parallel_loop3A_394 : i32 to vector<16xi32>
      %parallel_loop3A_396 = arith.cmpi slt, %or3A, %parallel_loop3A_395 : vector<16xi32>
      %parallel_loop3A_397 = arith.constant 16 : i32
      %parallel_loop3A_398 = vector.broadcast %parallel_loop3A_397 : i32 to vector<16xi32>
      %parallel_loop3A_399 = arith.addi %or3A, %parallel_loop3A_398 : vector<16xi32>
      %parallel_loop3A_400 = arith.select %parallel_loop3A_396, %parallel_loop3A_399, %or3A : vector<16xi1>, vector<16xi32>
      %parallel_loop3A_401 = vector.shape_cast %parallel_loop3A_400 : vector<16xi32> to vector<16x1xi32>
      %parallel_loop3A_402 = vector.shape_cast %parallel_loop3A_401 : vector<16x1xi32> to vector<16xi32>
      %parallel_loop3A_403 = tpu.dynamic_gather %parallel_loop3A_383[%parallel_loop3A_402] in [0] : vector<16xf32>, vector<16xi32> -> vector<16xf32>
      %parallel_loop3A_404 = arith.select %lt3A_41, %parallel_loop3A_393, %parallel_loop3A_403 : vector<16xi1>, vector<16xf32>
      %parallel_loop3A_405 = arith.constant 4 : i32
      %parallel_loop3A_406 = arith.addi %parallel_loop3A_95, %parallel_loop3A_405 : i32
      %parallel_loop3A_407 = arith.index_cast %parallel_loop3A_406 : i32 to index
      %parallel_loop3A_408 = arith.constant 0 : index
      %parallel_loop3A_409 = tpu.vector_load %arg7[%parallel_loop3A_407, %parallel_loop3A_408] {strides = array<i32>} : memref<512x128xf32, #tpu.memory_space<vmem>>, vector<16xf32>,
      %parallel_loop3A_410 = arith.mulf %parallel_loop3A_409, %get3A_21 : vector<16xf32>
      %parallel_loop3A_411 = arith.constant 4 : i32
      %parallel_loop3A_412 = arith.addi %parallel_loop3A_95, %parallel_loop3A_411 : i32
      %parallel_loop3A_413 = arith.index_cast %parallel_loop3A_412 : i32 to index
      %parallel_loop3A_414 = arith.constant 16 : index
      %parallel_loop3A_415 = tpu.vector_load %arg7[%parallel_loop3A_413, %parallel_loop3A_414] {strides = array<i32>} : memref<512x128xf32, #tpu.memory_space<vmem>>, vector<16xf32>,
      %parallel_loop3A_416 = arith.mulf %parallel_loop3A_415, %get3A_23 : vector<16xf32>
      %parallel_loop3A_417 = arith.addf %parallel_loop3A_416, %parallel_loop3A_410 : vector<16xf32>
      %parallel_loop3A_418 = arith.constant 4 : i32
      %parallel_loop3A_419 = arith.addi %parallel_loop3A_95, %parallel_loop3A_418 : i32
      %parallel_loop3A_420 = arith.index_cast %parallel_loop3A_419 : i32 to index
      %parallel_loop3A_421 = arith.constant 32 : index
      %parallel_loop3A_422 = tpu.vector_load %arg7[%parallel_loop3A_420, %parallel_loop3A_421] {strides = array<i32>} : memref<512x128xf32, #tpu.memory_space<vmem>>, vector<16xf32>,
      %parallel_loop3A_423 = arith.mulf %parallel_loop3A_422, %get3A_25 : vector<16xf32>
      %parallel_loop3A_424 = arith.addf %parallel_loop3A_423, %parallel_loop3A_417 : vector<16xf32>
      %parallel_loop3A_425 = arith.constant 4 : i32
      %parallel_loop3A_426 = arith.addi %parallel_loop3A_95, %parallel_loop3A_425 : i32
      %parallel_loop3A_427 = arith.index_cast %parallel_loop3A_426 : i32 to index
      %parallel_loop3A_428 = arith.constant 48 : index
      %parallel_loop3A_429 = tpu.vector_load %arg7[%parallel_loop3A_427, %parallel_loop3A_428] {strides = array<i32>} : memref<512x128xf32, #tpu.memory_space<vmem>>, vector<16xf32>,
      %parallel_loop3A_430 = arith.mulf %parallel_loop3A_429, %get3A_27 : vector<16xf32>
      %parallel_loop3A_431 = arith.addf %parallel_loop3A_430, %parallel_loop3A_424 : vector<16xf32>
      %parallel_loop3A_432 = arith.constant 4 : i32
      %parallel_loop3A_433 = arith.addi %parallel_loop3A_95, %parallel_loop3A_432 : i32
      %parallel_loop3A_434 = arith.index_cast %parallel_loop3A_433 : i32 to index
      %parallel_loop3A_435 = arith.constant 64 : index
      %parallel_loop3A_436 = tpu.vector_load %arg7[%parallel_loop3A_434, %parallel_loop3A_435] {strides = array<i32>} : memref<512x128xf32, #tpu.memory_space<vmem>>, vector<16xf32>,
      %parallel_loop3A_437 = arith.mulf %parallel_loop3A_436, %get3A_29 : vector<16xf32>
      %parallel_loop3A_438 = arith.addf %parallel_loop3A_437, %parallel_loop3A_431 : vector<16xf32>
      %parallel_loop3A_439 = arith.constant 4 : i32
      %parallel_loop3A_440 = arith.addi %parallel_loop3A_95, %parallel_loop3A_439 : i32
      %parallel_loop3A_441 = arith.index_cast %parallel_loop3A_440 : i32 to index
      %parallel_loop3A_442 = arith.constant 80 : index
      %parallel_loop3A_443 = tpu.vector_load %arg7[%parallel_loop3A_441, %parallel_loop3A_442] {strides = array<i32>} : memref<512x128xf32, #tpu.memory_space<vmem>>, vector<16xf32>,
      %parallel_loop3A_444 = arith.mulf %parallel_loop3A_443, %get3A_31 : vector<16xf32>
      %parallel_loop3A_445 = arith.addf %parallel_loop3A_444, %parallel_loop3A_438 : vector<16xf32>
      %parallel_loop3A_446 = arith.constant 4 : i32
      %parallel_loop3A_447 = arith.addi %parallel_loop3A_95, %parallel_loop3A_446 : i32
      %parallel_loop3A_448 = arith.index_cast %parallel_loop3A_447 : i32 to index
      %parallel_loop3A_449 = arith.constant 96 : index
      %parallel_loop3A_450 = tpu.vector_load %arg7[%parallel_loop3A_448, %parallel_loop3A_449] {strides = array<i32>} : memref<512x128xf32, #tpu.memory_space<vmem>>, vector<16xf32>,
      %parallel_loop3A_451 = arith.mulf %parallel_loop3A_450, %get3A_33 : vector<16xf32>
      %parallel_loop3A_452 = arith.addf %parallel_loop3A_451, %parallel_loop3A_445 : vector<16xf32>
      %parallel_loop3A_453 = arith.constant 4 : i32
      %parallel_loop3A_454 = arith.addi %parallel_loop3A_95, %parallel_loop3A_453 : i32
      %parallel_loop3A_455 = arith.index_cast %parallel_loop3A_454 : i32 to index
      %parallel_loop3A_456 = arith.constant 112 : index
      %parallel_loop3A_457 = tpu.vector_load %arg7[%parallel_loop3A_455, %parallel_loop3A_456] {strides = array<i32>} : memref<512x128xf32, #tpu.memory_space<vmem>>, vector<16xf32>,
      %parallel_loop3A_458 = arith.mulf %parallel_loop3A_457, %get3A_35 : vector<16xf32>
      %parallel_loop3A_459 = arith.addf %parallel_loop3A_458, %parallel_loop3A_452 : vector<16xf32>
      %parallel_loop3A_460 = arith.constant 5 : i32
      %parallel_loop3A_461 = arith.addi %parallel_loop3A_95, %parallel_loop3A_460 : i32
      %parallel_loop3A_462 = arith.index_cast %parallel_loop3A_461 : i32 to index
      %parallel_loop3A_463 = arith.constant 0 : index
      %parallel_loop3A_464 = tpu.vector_load %arg7[%parallel_loop3A_462, %parallel_loop3A_463] {strides = array<i32>} : memref<512x128xf32, #tpu.memory_space<vmem>>, vector<16xf32>,
      %parallel_loop3A_465 = arith.mulf %parallel_loop3A_464, %get3A_21 : vector<16xf32>
      %parallel_loop3A_466 = arith.constant 5 : i32
      %parallel_loop3A_467 = arith.addi %parallel_loop3A_95, %parallel_loop3A_466 : i32
      %parallel_loop3A_468 = arith.index_cast %parallel_loop3A_467 : i32 to index
      %parallel_loop3A_469 = arith.constant 16 : index
      %parallel_loop3A_470 = tpu.vector_load %arg7[%parallel_loop3A_468, %parallel_loop3A_469] {strides = array<i32>} : memref<512x128xf32, #tpu.memory_space<vmem>>, vector<16xf32>,
      %parallel_loop3A_471 = arith.mulf %parallel_loop3A_470, %get3A_23 : vector<16xf32>
      %parallel_loop3A_472 = arith.addf %parallel_loop3A_471, %parallel_loop3A_465 : vector<16xf32>
      %parallel_loop3A_473 = arith.constant 5 : i32
      %parallel_loop3A_474 = arith.addi %parallel_loop3A_95, %parallel_loop3A_473 : i32
      %parallel_loop3A_475 = arith.index_cast %parallel_loop3A_474 : i32 to index
      %parallel_loop3A_476 = arith.constant 32 : index
      %parallel_loop3A_477 = tpu.vector_load %arg7[%parallel_loop3A_475, %parallel_loop3A_476] {strides = array<i32>} : memref<512x128xf32, #tpu.memory_space<vmem>>, vector<16xf32>,
      %parallel_loop3A_478 = arith.mulf %parallel_loop3A_477, %get3A_25 : vector<16xf32>
      %parallel_loop3A_479 = arith.addf %parallel_loop3A_478, %parallel_loop3A_472 : vector<16xf32>
      %parallel_loop3A_480 = arith.constant 5 : i32
      %parallel_loop3A_481 = arith.addi %parallel_loop3A_95, %parallel_loop3A_480 : i32
      %parallel_loop3A_482 = arith.index_cast %parallel_loop3A_481 : i32 to index
      %parallel_loop3A_483 = arith.constant 48 : index
      %parallel_loop3A_484 = tpu.vector_load %arg7[%parallel_loop3A_482, %parallel_loop3A_483] {strides = array<i32>} : memref<512x128xf32, #tpu.memory_space<vmem>>, vector<16xf32>,
      %parallel_loop3A_485 = arith.mulf %parallel_loop3A_484, %get3A_27 : vector<16xf32>
      %parallel_loop3A_486 = arith.addf %parallel_loop3A_485, %parallel_loop3A_479 : vector<16xf32>
      %parallel_loop3A_487 = arith.constant 5 : i32
      %parallel_loop3A_488 = arith.addi %parallel_loop3A_95, %parallel_loop3A_487 : i32
      %parallel_loop3A_489 = arith.index_cast %parallel_loop3A_488 : i32 to index
      %parallel_loop3A_490 = arith.constant 64 : index
      %parallel_loop3A_491 = tpu.vector_load %arg7[%parallel_loop3A_489, %parallel_loop3A_490] {strides = array<i32>} : memref<512x128xf32, #tpu.memory_space<vmem>>, vector<16xf32>,
      %parallel_loop3A_492 = arith.mulf %parallel_loop3A_491, %get3A_29 : vector<16xf32>
      %parallel_loop3A_493 = arith.addf %parallel_loop3A_492, %parallel_loop3A_486 : vector<16xf32>
      %parallel_loop3A_494 = arith.constant 5 : i32
      %parallel_loop3A_495 = arith.addi %parallel_loop3A_95, %parallel_loop3A_494 : i32
      %parallel_loop3A_496 = arith.index_cast %parallel_loop3A_495 : i32 to index
      %parallel_loop3A_497 = arith.constant 80 : index
      %parallel_loop3A_498 = tpu.vector_load %arg7[%parallel_loop3A_496, %parallel_loop3A_497] {strides = array<i32>} : memref<512x128xf32, #tpu.memory_space<vmem>>, vector<16xf32>,
      %parallel_loop3A_499 = arith.mulf %parallel_loop3A_498, %get3A_31 : vector<16xf32>
      %parallel_loop3A_500 = arith.addf %parallel_loop3A_499, %parallel_loop3A_493 : vector<16xf32>
      %parallel_loop3A_501 = arith.constant 5 : i32
      %parallel_loop3A_502 = arith.addi %parallel_loop3A_95, %parallel_loop3A_501 : i32
      %parallel_loop3A_503 = arith.index_cast %parallel_loop3A_502 : i32 to index
      %parallel_loop3A_504 = arith.constant 96 : index
      %parallel_loop3A_505 = tpu.vector_load %arg7[%parallel_loop3A_503, %parallel_loop3A_504] {strides = array<i32>} : memref<512x128xf32, #tpu.memory_space<vmem>>, vector<16xf32>,
      %parallel_loop3A_506 = arith.mulf %parallel_loop3A_505, %get3A_33 : vector<16xf32>
      %parallel_loop3A_507 = arith.addf %parallel_loop3A_506, %parallel_loop3A_500 : vector<16xf32>
      %parallel_loop3A_508 = arith.constant 5 : i32
      %parallel_loop3A_509 = arith.addi %parallel_loop3A_95, %parallel_loop3A_508 : i32
      %parallel_loop3A_510 = arith.index_cast %parallel_loop3A_509 : i32 to index
      %parallel_loop3A_511 = arith.constant 112 : index
      %parallel_loop3A_512 = tpu.vector_load %arg7[%parallel_loop3A_510, %parallel_loop3A_511] {strides = array<i32>} : memref<512x128xf32, #tpu.memory_space<vmem>>, vector<16xf32>,
      %parallel_loop3A_513 = arith.mulf %parallel_loop3A_512, %get3A_35 : vector<16xf32>
      %parallel_loop3A_514 = arith.addf %parallel_loop3A_513, %parallel_loop3A_507 : vector<16xf32>
      %parallel_loop3A_515 = arith.constant 0 : i32
      %parallel_loop3A_516 = vector.broadcast %parallel_loop3A_515 : i32 to vector<16xi32>
      %parallel_loop3A_517 = arith.cmpi slt, %xor3A_43, %parallel_loop3A_516 : vector<16xi32>
      %parallel_loop3A_518 = arith.constant 16 : i32
      %parallel_loop3A_519 = vector.broadcast %parallel_loop3A_518 : i32 to vector<16xi32>
      %parallel_loop3A_520 = arith.addi %xor3A_43, %parallel_loop3A_519 : vector<16xi32>
      %parallel_loop3A_521 = arith.select %parallel_loop3A_517, %parallel_loop3A_520, %xor3A_43 : vector<16xi1>, vector<16xi32>
      %parallel_loop3A_522 = vector.shape_cast %parallel_loop3A_521 : vector<16xi32> to vector<16x1xi32>
      %parallel_loop3A_523 = vector.shape_cast %parallel_loop3A_522 : vector<16x1xi32> to vector<16xi32>
      %parallel_loop3A_524 = tpu.dynamic_gather %parallel_loop3A_459[%parallel_loop3A_523] in [0] : vector<16xf32>, vector<16xi32> -> vector<16xf32>
      %parallel_loop3A_525 = arith.addf %parallel_loop3A_459, %parallel_loop3A_524 : vector<16xf32>
      %parallel_loop3A_526 = arith.constant 0 : i32
      %parallel_loop3A_527 = vector.broadcast %parallel_loop3A_526 : i32 to vector<16xi32>
      %parallel_loop3A_528 = arith.cmpi slt, %xor3A_43, %parallel_loop3A_527 : vector<16xi32>
      %parallel_loop3A_529 = arith.constant 16 : i32
      %parallel_loop3A_530 = vector.broadcast %parallel_loop3A_529 : i32 to vector<16xi32>
      %parallel_loop3A_531 = arith.addi %xor3A_43, %parallel_loop3A_530 : vector<16xi32>
      %parallel_loop3A_532 = arith.select %parallel_loop3A_528, %parallel_loop3A_531, %xor3A_43 : vector<16xi1>, vector<16xi32>
      %parallel_loop3A_533 = vector.shape_cast %parallel_loop3A_532 : vector<16xi32> to vector<16x1xi32>
      %parallel_loop3A_534 = vector.shape_cast %parallel_loop3A_533 : vector<16x1xi32> to vector<16xi32>
      %parallel_loop3A_535 = tpu.dynamic_gather %parallel_loop3A_514[%parallel_loop3A_534] in [0] : vector<16xf32>, vector<16xi32> -> vector<16xf32>
      %parallel_loop3A_536 = arith.addf %parallel_loop3A_514, %parallel_loop3A_535 : vector<16xf32>
      %parallel_loop3A_537 = arith.select %lt3A_41, %parallel_loop3A_525, %parallel_loop3A_536 : vector<16xi1>, vector<16xf32>
      %parallel_loop3A_538 = arith.constant 6 : i32
      %parallel_loop3A_539 = arith.addi %parallel_loop3A_95, %parallel_loop3A_538 : i32
      %parallel_loop3A_540 = arith.index_cast %parallel_loop3A_539 : i32 to index
      %parallel_loop3A_541 = arith.constant 0 : index
      %parallel_loop3A_542 = tpu.vector_load %arg7[%parallel_loop3A_540, %parallel_loop3A_541] {strides = array<i32>} : memref<512x128xf32, #tpu.memory_space<vmem>>, vector<16xf32>,
      %parallel_loop3A_543 = arith.mulf %parallel_loop3A_542, %get3A_21 : vector<16xf32>
      %parallel_loop3A_544 = arith.constant 6 : i32
      %parallel_loop3A_545 = arith.addi %parallel_loop3A_95, %parallel_loop3A_544 : i32
      %parallel_loop3A_546 = arith.index_cast %parallel_loop3A_545 : i32 to index
      %parallel_loop3A_547 = arith.constant 16 : index
      %parallel_loop3A_548 = tpu.vector_load %arg7[%parallel_loop3A_546, %parallel_loop3A_547] {strides = array<i32>} : memref<512x128xf32, #tpu.memory_space<vmem>>, vector<16xf32>,
      %parallel_loop3A_549 = arith.mulf %parallel_loop3A_548, %get3A_23 : vector<16xf32>
      %parallel_loop3A_550 = arith.addf %parallel_loop3A_549, %parallel_loop3A_543 : vector<16xf32>
      %parallel_loop3A_551 = arith.constant 6 : i32
      %parallel_loop3A_552 = arith.addi %parallel_loop3A_95, %parallel_loop3A_551 : i32
      %parallel_loop3A_553 = arith.index_cast %parallel_loop3A_552 : i32 to index
      %parallel_loop3A_554 = arith.constant 32 : index
      %parallel_loop3A_555 = tpu.vector_load %arg7[%parallel_loop3A_553, %parallel_loop3A_554] {strides = array<i32>} : memref<512x128xf32, #tpu.memory_space<vmem>>, vector<16xf32>,
      %parallel_loop3A_556 = arith.mulf %parallel_loop3A_555, %get3A_25 : vector<16xf32>
      %parallel_loop3A_557 = arith.addf %parallel_loop3A_556, %parallel_loop3A_550 : vector<16xf32>
      %parallel_loop3A_558 = arith.constant 6 : i32
      %parallel_loop3A_559 = arith.addi %parallel_loop3A_95, %parallel_loop3A_558 : i32
      %parallel_loop3A_560 = arith.index_cast %parallel_loop3A_559 : i32 to index
      %parallel_loop3A_561 = arith.constant 48 : index
      %parallel_loop3A_562 = tpu.vector_load %arg7[%parallel_loop3A_560, %parallel_loop3A_561] {strides = array<i32>} : memref<512x128xf32, #tpu.memory_space<vmem>>, vector<16xf32>,
      %parallel_loop3A_563 = arith.mulf %parallel_loop3A_562, %get3A_27 : vector<16xf32>
      %parallel_loop3A_564 = arith.addf %parallel_loop3A_563, %parallel_loop3A_557 : vector<16xf32>
      %parallel_loop3A_565 = arith.constant 6 : i32
      %parallel_loop3A_566 = arith.addi %parallel_loop3A_95, %parallel_loop3A_565 : i32
      %parallel_loop3A_567 = arith.index_cast %parallel_loop3A_566 : i32 to index
      %parallel_loop3A_568 = arith.constant 64 : index
      %parallel_loop3A_569 = tpu.vector_load %arg7[%parallel_loop3A_567, %parallel_loop3A_568] {strides = array<i32>} : memref<512x128xf32, #tpu.memory_space<vmem>>, vector<16xf32>,
      %parallel_loop3A_570 = arith.mulf %parallel_loop3A_569, %get3A_29 : vector<16xf32>
      %parallel_loop3A_571 = arith.addf %parallel_loop3A_570, %parallel_loop3A_564 : vector<16xf32>
      %parallel_loop3A_572 = arith.constant 6 : i32
      %parallel_loop3A_573 = arith.addi %parallel_loop3A_95, %parallel_loop3A_572 : i32
      %parallel_loop3A_574 = arith.index_cast %parallel_loop3A_573 : i32 to index
      %parallel_loop3A_575 = arith.constant 80 : index
      %parallel_loop3A_576 = tpu.vector_load %arg7[%parallel_loop3A_574, %parallel_loop3A_575] {strides = array<i32>} : memref<512x128xf32, #tpu.memory_space<vmem>>, vector<16xf32>,
      %parallel_loop3A_577 = arith.mulf %parallel_loop3A_576, %get3A_31 : vector<16xf32>
      %parallel_loop3A_578 = arith.addf %parallel_loop3A_577, %parallel_loop3A_571 : vector<16xf32>
      %parallel_loop3A_579 = arith.constant 6 : i32
      %parallel_loop3A_580 = arith.addi %parallel_loop3A_95, %parallel_loop3A_579 : i32
      %parallel_loop3A_581 = arith.index_cast %parallel_loop3A_580 : i32 to index
      %parallel_loop3A_582 = arith.constant 96 : index
      %parallel_loop3A_583 = tpu.vector_load %arg7[%parallel_loop3A_581, %parallel_loop3A_582] {strides = array<i32>} : memref<512x128xf32, #tpu.memory_space<vmem>>, vector<16xf32>,
      %parallel_loop3A_584 = arith.mulf %parallel_loop3A_583, %get3A_33 : vector<16xf32>
      %parallel_loop3A_585 = arith.addf %parallel_loop3A_584, %parallel_loop3A_578 : vector<16xf32>
      %parallel_loop3A_586 = arith.constant 6 : i32
      %parallel_loop3A_587 = arith.addi %parallel_loop3A_95, %parallel_loop3A_586 : i32
      %parallel_loop3A_588 = arith.index_cast %parallel_loop3A_587 : i32 to index
      %parallel_loop3A_589 = arith.constant 112 : index
      %parallel_loop3A_590 = tpu.vector_load %arg7[%parallel_loop3A_588, %parallel_loop3A_589] {strides = array<i32>} : memref<512x128xf32, #tpu.memory_space<vmem>>, vector<16xf32>,
      %parallel_loop3A_591 = arith.mulf %parallel_loop3A_590, %get3A_35 : vector<16xf32>
      %parallel_loop3A_592 = arith.addf %parallel_loop3A_591, %parallel_loop3A_585 : vector<16xf32>
      %parallel_loop3A_593 = arith.constant 7 : i32
      %parallel_loop3A_594 = arith.addi %parallel_loop3A_95, %parallel_loop3A_593 : i32
      %parallel_loop3A_595 = arith.index_cast %parallel_loop3A_594 : i32 to index
      %parallel_loop3A_596 = arith.constant 0 : index
      %parallel_loop3A_597 = tpu.vector_load %arg7[%parallel_loop3A_595, %parallel_loop3A_596] {strides = array<i32>} : memref<512x128xf32, #tpu.memory_space<vmem>>, vector<16xf32>,
      %parallel_loop3A_598 = arith.mulf %parallel_loop3A_597, %get3A_21 : vector<16xf32>
      %parallel_loop3A_599 = arith.constant 7 : i32
      %parallel_loop3A_600 = arith.addi %parallel_loop3A_95, %parallel_loop3A_599 : i32
      %parallel_loop3A_601 = arith.index_cast %parallel_loop3A_600 : i32 to index
      %parallel_loop3A_602 = arith.constant 16 : index
      %parallel_loop3A_603 = tpu.vector_load %arg7[%parallel_loop3A_601, %parallel_loop3A_602] {strides = array<i32>} : memref<512x128xf32, #tpu.memory_space<vmem>>, vector<16xf32>,
      %parallel_loop3A_604 = arith.mulf %parallel_loop3A_603, %get3A_23 : vector<16xf32>
      %parallel_loop3A_605 = arith.addf %parallel_loop3A_604, %parallel_loop3A_598 : vector<16xf32>
      %parallel_loop3A_606 = arith.constant 7 : i32
      %parallel_loop3A_607 = arith.addi %parallel_loop3A_95, %parallel_loop3A_606 : i32
      %parallel_loop3A_608 = arith.index_cast %parallel_loop3A_607 : i32 to index
      %parallel_loop3A_609 = arith.constant 32 : index
      %parallel_loop3A_610 = tpu.vector_load %arg7[%parallel_loop3A_608, %parallel_loop3A_609] {strides = array<i32>} : memref<512x128xf32, #tpu.memory_space<vmem>>, vector<16xf32>,
      %parallel_loop3A_611 = arith.mulf %parallel_loop3A_610, %get3A_25 : vector<16xf32>
      %parallel_loop3A_612 = arith.addf %parallel_loop3A_611, %parallel_loop3A_605 : vector<16xf32>
      %parallel_loop3A_613 = arith.constant 7 : i32
      %parallel_loop3A_614 = arith.addi %parallel_loop3A_95, %parallel_loop3A_613 : i32
      %parallel_loop3A_615 = arith.index_cast %parallel_loop3A_614 : i32 to index
      %parallel_loop3A_616 = arith.constant 48 : index
      %parallel_loop3A_617 = tpu.vector_load %arg7[%parallel_loop3A_615, %parallel_loop3A_616] {strides = array<i32>} : memref<512x128xf32, #tpu.memory_space<vmem>>, vector<16xf32>,
      %parallel_loop3A_618 = arith.mulf %parallel_loop3A_617, %get3A_27 : vector<16xf32>
      %parallel_loop3A_619 = arith.addf %parallel_loop3A_618, %parallel_loop3A_612 : vector<16xf32>
      %parallel_loop3A_620 = arith.constant 7 : i32
      %parallel_loop3A_621 = arith.addi %parallel_loop3A_95, %parallel_loop3A_620 : i32
      %parallel_loop3A_622 = arith.index_cast %parallel_loop3A_621 : i32 to index
      %parallel_loop3A_623 = arith.constant 64 : index
      %parallel_loop3A_624 = tpu.vector_load %arg7[%parallel_loop3A_622, %parallel_loop3A_623] {strides = array<i32>} : memref<512x128xf32, #tpu.memory_space<vmem>>, vector<16xf32>,
      %parallel_loop3A_625 = arith.mulf %parallel_loop3A_624, %get3A_29 : vector<16xf32>
      %parallel_loop3A_626 = arith.addf %parallel_loop3A_625, %parallel_loop3A_619 : vector<16xf32>
      %parallel_loop3A_627 = arith.constant 7 : i32
      %parallel_loop3A_628 = arith.addi %parallel_loop3A_95, %parallel_loop3A_627 : i32
      %parallel_loop3A_629 = arith.index_cast %parallel_loop3A_628 : i32 to index
      %parallel_loop3A_630 = arith.constant 80 : index
      %parallel_loop3A_631 = tpu.vector_load %arg7[%parallel_loop3A_629, %parallel_loop3A_630] {strides = array<i32>} : memref<512x128xf32, #tpu.memory_space<vmem>>, vector<16xf32>,
      %parallel_loop3A_632 = arith.mulf %parallel_loop3A_631, %get3A_31 : vector<16xf32>
      %parallel_loop3A_633 = arith.addf %parallel_loop3A_632, %parallel_loop3A_626 : vector<16xf32>
      %parallel_loop3A_634 = arith.constant 7 : i32
      %parallel_loop3A_635 = arith.addi %parallel_loop3A_95, %parallel_loop3A_634 : i32
      %parallel_loop3A_636 = arith.index_cast %parallel_loop3A_635 : i32 to index
      %parallel_loop3A_637 = arith.constant 96 : index
      %parallel_loop3A_638 = tpu.vector_load %arg7[%parallel_loop3A_636, %parallel_loop3A_637] {strides = array<i32>} : memref<512x128xf32, #tpu.memory_space<vmem>>, vector<16xf32>,
      %parallel_loop3A_639 = arith.mulf %parallel_loop3A_638, %get3A_33 : vector<16xf32>
      %parallel_loop3A_640 = arith.addf %parallel_loop3A_639, %parallel_loop3A_633 : vector<16xf32>
      %parallel_loop3A_641 = arith.constant 7 : i32
      %parallel_loop3A_642 = arith.addi %parallel_loop3A_95, %parallel_loop3A_641 : i32
      %parallel_loop3A_643 = arith.index_cast %parallel_loop3A_642 : i32 to index
      %parallel_loop3A_644 = arith.constant 112 : index
      %parallel_loop3A_645 = tpu.vector_load %arg7[%parallel_loop3A_643, %parallel_loop3A_644] {strides = array<i32>} : memref<512x128xf32, #tpu.memory_space<vmem>>, vector<16xf32>,
      %parallel_loop3A_646 = arith.mulf %parallel_loop3A_645, %get3A_35 : vector<16xf32>
      %parallel_loop3A_647 = arith.addf %parallel_loop3A_646, %parallel_loop3A_640 : vector<16xf32>
      %parallel_loop3A_648 = arith.constant 0 : i32
      %parallel_loop3A_649 = vector.broadcast %parallel_loop3A_648 : i32 to vector<16xi32>
      %parallel_loop3A_650 = arith.cmpi slt, %xor3A_43, %parallel_loop3A_649 : vector<16xi32>
      %parallel_loop3A_651 = arith.constant 16 : i32
      %parallel_loop3A_652 = vector.broadcast %parallel_loop3A_651 : i32 to vector<16xi32>
      %parallel_loop3A_653 = arith.addi %xor3A_43, %parallel_loop3A_652 : vector<16xi32>
      %parallel_loop3A_654 = arith.select %parallel_loop3A_650, %parallel_loop3A_653, %xor3A_43 : vector<16xi1>, vector<16xi32>
      %parallel_loop3A_655 = vector.shape_cast %parallel_loop3A_654 : vector<16xi32> to vector<16x1xi32>
      %parallel_loop3A_656 = vector.shape_cast %parallel_loop3A_655 : vector<16x1xi32> to vector<16xi32>
      %parallel_loop3A_657 = tpu.dynamic_gather %parallel_loop3A_592[%parallel_loop3A_656] in [0] : vector<16xf32>, vector<16xi32> -> vector<16xf32>
      %parallel_loop3A_658 = arith.addf %parallel_loop3A_592, %parallel_loop3A_657 : vector<16xf32>
      %parallel_loop3A_659 = arith.constant 0 : i32
      %parallel_loop3A_660 = vector.broadcast %parallel_loop3A_659 : i32 to vector<16xi32>
      %parallel_loop3A_661 = arith.cmpi slt, %xor3A_43, %parallel_loop3A_660 : vector<16xi32>
      %parallel_loop3A_662 = arith.constant 16 : i32
      %parallel_loop3A_663 = vector.broadcast %parallel_loop3A_662 : i32 to vector<16xi32>
      %parallel_loop3A_664 = arith.addi %xor3A_43, %parallel_loop3A_663 : vector<16xi32>
      %parallel_loop3A_665 = arith.select %parallel_loop3A_661, %parallel_loop3A_664, %xor3A_43 : vector<16xi1>, vector<16xi32>
      %parallel_loop3A_666 = vector.shape_cast %parallel_loop3A_665 : vector<16xi32> to vector<16x1xi32>
      %parallel_loop3A_667 = vector.shape_cast %parallel_loop3A_666 : vector<16x1xi32> to vector<16xi32>
      %parallel_loop3A_668 = tpu.dynamic_gather %parallel_loop3A_647[%parallel_loop3A_667] in [0] : vector<16xf32>, vector<16xi32> -> vector<16xf32>
      %parallel_loop3A_669 = arith.addf %parallel_loop3A_647, %parallel_loop3A_668 : vector<16xf32>
      %parallel_loop3A_670 = arith.select %lt3A_41, %parallel_loop3A_658, %parallel_loop3A_669 : vector<16xi1>, vector<16xf32>
      %parallel_loop3A_671 = arith.constant 0 : i32
      %parallel_loop3A_672 = vector.broadcast %parallel_loop3A_671 : i32 to vector<16xi32>
      %parallel_loop3A_673 = arith.cmpi slt, %xor3A_46, %parallel_loop3A_672 : vector<16xi32>
      %parallel_loop3A_674 = arith.constant 16 : i32
      %parallel_loop3A_675 = vector.broadcast %parallel_loop3A_674 : i32 to vector<16xi32>
      %parallel_loop3A_676 = arith.addi %xor3A_46, %parallel_loop3A_675 : vector<16xi32>
      %parallel_loop3A_677 = arith.select %parallel_loop3A_673, %parallel_loop3A_676, %xor3A_46 : vector<16xi1>, vector<16xi32>
      %parallel_loop3A_678 = vector.shape_cast %parallel_loop3A_677 : vector<16xi32> to vector<16x1xi32>
      %parallel_loop3A_679 = vector.shape_cast %parallel_loop3A_678 : vector<16x1xi32> to vector<16xi32>
      %parallel_loop3A_680 = tpu.dynamic_gather %parallel_loop3A_537[%parallel_loop3A_679] in [0] : vector<16xf32>, vector<16xi32> -> vector<16xf32>
      %parallel_loop3A_681 = arith.addf %parallel_loop3A_537, %parallel_loop3A_680 : vector<16xf32>
      %parallel_loop3A_682 = arith.constant 0 : i32
      %parallel_loop3A_683 = vector.broadcast %parallel_loop3A_682 : i32 to vector<16xi32>
      %parallel_loop3A_684 = arith.cmpi slt, %xor3A_46, %parallel_loop3A_683 : vector<16xi32>
      %parallel_loop3A_685 = arith.constant 16 : i32
      %parallel_loop3A_686 = vector.broadcast %parallel_loop3A_685 : i32 to vector<16xi32>
      %parallel_loop3A_687 = arith.addi %xor3A_46, %parallel_loop3A_686 : vector<16xi32>
      %parallel_loop3A_688 = arith.select %parallel_loop3A_684, %parallel_loop3A_687, %xor3A_46 : vector<16xi1>, vector<16xi32>
      %parallel_loop3A_689 = vector.shape_cast %parallel_loop3A_688 : vector<16xi32> to vector<16x1xi32>
      %parallel_loop3A_690 = vector.shape_cast %parallel_loop3A_689 : vector<16x1xi32> to vector<16xi32>
      %parallel_loop3A_691 = tpu.dynamic_gather %parallel_loop3A_670[%parallel_loop3A_690] in [0] : vector<16xf32>, vector<16xi32> -> vector<16xf32>
      %parallel_loop3A_692 = arith.addf %parallel_loop3A_670, %parallel_loop3A_691 : vector<16xf32>
      %parallel_loop3A_693 = arith.constant 0 : i32
      %parallel_loop3A_694 = vector.broadcast %parallel_loop3A_693 : i32 to vector<16xi32>
      %parallel_loop3A_695 = arith.cmpi slt, %or3A, %parallel_loop3A_694 : vector<16xi32>
      %parallel_loop3A_696 = arith.constant 16 : i32
      %parallel_loop3A_697 = vector.broadcast %parallel_loop3A_696 : i32 to vector<16xi32>
      %parallel_loop3A_698 = arith.addi %or3A, %parallel_loop3A_697 : vector<16xi32>
      %parallel_loop3A_699 = arith.select %parallel_loop3A_695, %parallel_loop3A_698, %or3A : vector<16xi1>, vector<16xi32>
      %parallel_loop3A_700 = vector.shape_cast %parallel_loop3A_699 : vector<16xi32> to vector<16x1xi32>
      %parallel_loop3A_701 = vector.shape_cast %parallel_loop3A_700 : vector<16x1xi32> to vector<16xi32>
      %parallel_loop3A_702 = tpu.dynamic_gather %parallel_loop3A_681[%parallel_loop3A_701] in [0] : vector<16xf32>, vector<16xi32> -> vector<16xf32>
      %parallel_loop3A_703 = arith.constant 0 : i32
      %parallel_loop3A_704 = vector.broadcast %parallel_loop3A_703 : i32 to vector<16xi32>
      %parallel_loop3A_705 = arith.cmpi slt, %or3A, %parallel_loop3A_704 : vector<16xi32>
      %parallel_loop3A_706 = arith.constant 16 : i32
      %parallel_loop3A_707 = vector.broadcast %parallel_loop3A_706 : i32 to vector<16xi32>
      %parallel_loop3A_708 = arith.addi %or3A, %parallel_loop3A_707 : vector<16xi32>
      %parallel_loop3A_709 = arith.select %parallel_loop3A_705, %parallel_loop3A_708, %or3A : vector<16xi1>, vector<16xi32>
      %parallel_loop3A_710 = vector.shape_cast %parallel_loop3A_709 : vector<16xi32> to vector<16x1xi32>
      %parallel_loop3A_711 = vector.shape_cast %parallel_loop3A_710 : vector<16x1xi32> to vector<16xi32>
      %parallel_loop3A_712 = tpu.dynamic_gather %parallel_loop3A_692[%parallel_loop3A_711] in [0] : vector<16xf32>, vector<16xi32> -> vector<16xf32>
      %parallel_loop3A_713 = arith.select %lt3A_41, %parallel_loop3A_702, %parallel_loop3A_712 : vector<16xi1>, vector<16xf32>
      %parallel_loop3A_714 = arith.constant 0 : i32
      %parallel_loop3A_715 = vector.broadcast %parallel_loop3A_714 : i32 to vector<16xi32>
      %parallel_loop3A_716 = arith.cmpi slt, %xor3A_49, %parallel_loop3A_715 : vector<16xi32>
      %parallel_loop3A_717 = arith.constant 16 : i32
      %parallel_loop3A_718 = vector.broadcast %parallel_loop3A_717 : i32 to vector<16xi32>
      %parallel_loop3A_719 = arith.addi %xor3A_49, %parallel_loop3A_718 : vector<16xi32>
      %parallel_loop3A_720 = arith.select %parallel_loop3A_716, %parallel_loop3A_719, %xor3A_49 : vector<16xi1>, vector<16xi32>
      %parallel_loop3A_721 = vector.shape_cast %parallel_loop3A_720 : vector<16xi32> to vector<16x1xi32>
      %parallel_loop3A_722 = vector.shape_cast %parallel_loop3A_721 : vector<16x1xi32> to vector<16xi32>
      %parallel_loop3A_723 = tpu.dynamic_gather %parallel_loop3A_404[%parallel_loop3A_722] in [0] : vector<16xf32>, vector<16xi32> -> vector<16xf32>
      %parallel_loop3A_724 = arith.addf %parallel_loop3A_404, %parallel_loop3A_723 : vector<16xf32>
      %parallel_loop3A_725 = arith.constant 0 : i32
      %parallel_loop3A_726 = vector.broadcast %parallel_loop3A_725 : i32 to vector<16xi32>
      %parallel_loop3A_727 = arith.cmpi slt, %xor3A_49, %parallel_loop3A_726 : vector<16xi32>
      %parallel_loop3A_728 = arith.constant 16 : i32
      %parallel_loop3A_729 = vector.broadcast %parallel_loop3A_728 : i32 to vector<16xi32>
      %parallel_loop3A_730 = arith.addi %xor3A_49, %parallel_loop3A_729 : vector<16xi32>
      %parallel_loop3A_731 = arith.select %parallel_loop3A_727, %parallel_loop3A_730, %xor3A_49 : vector<16xi1>, vector<16xi32>
      %parallel_loop3A_732 = vector.shape_cast %parallel_loop3A_731 : vector<16xi32> to vector<16x1xi32>
      %parallel_loop3A_733 = vector.shape_cast %parallel_loop3A_732 : vector<16x1xi32> to vector<16xi32>
      %parallel_loop3A_734 = tpu.dynamic_gather %parallel_loop3A_713[%parallel_loop3A_733] in [0] : vector<16xf32>, vector<16xi32> -> vector<16xf32>
      %parallel_loop3A_735 = arith.addf %parallel_loop3A_713, %parallel_loop3A_734 : vector<16xf32>
      %parallel_loop3A_736 = arith.constant 0 : i32
      %parallel_loop3A_737 = vector.broadcast %parallel_loop3A_736 : i32 to vector<16xi32>
      %parallel_loop3A_738 = arith.cmpi slt, %or3A_71, %parallel_loop3A_737 : vector<16xi32>
      %parallel_loop3A_739 = arith.constant 16 : i32
      %parallel_loop3A_740 = vector.broadcast %parallel_loop3A_739 : i32 to vector<16xi32>
      %parallel_loop3A_741 = arith.addi %or3A_71, %parallel_loop3A_740 : vector<16xi32>
      %parallel_loop3A_742 = arith.select %parallel_loop3A_738, %parallel_loop3A_741, %or3A_71 : vector<16xi1>, vector<16xi32>
      %parallel_loop3A_743 = vector.shape_cast %parallel_loop3A_742 : vector<16xi32> to vector<16x1xi32>
      %parallel_loop3A_744 = vector.shape_cast %parallel_loop3A_743 : vector<16x1xi32> to vector<16xi32>
      %parallel_loop3A_745 = tpu.dynamic_gather %parallel_loop3A_724[%parallel_loop3A_744] in [0] : vector<16xf32>, vector<16xi32> -> vector<16xf32>
      %parallel_loop3A_746 = arith.constant 0 : i32
      %parallel_loop3A_747 = vector.broadcast %parallel_loop3A_746 : i32 to vector<16xi32>
      %parallel_loop3A_748 = arith.cmpi slt, %or3A_71, %parallel_loop3A_747 : vector<16xi32>
      %parallel_loop3A_749 = arith.constant 16 : i32
      %parallel_loop3A_750 = vector.broadcast %parallel_loop3A_749 : i32 to vector<16xi32>
      %parallel_loop3A_751 = arith.addi %or3A_71, %parallel_loop3A_750 : vector<16xi32>
      %parallel_loop3A_752 = arith.select %parallel_loop3A_748, %parallel_loop3A_751, %or3A_71 : vector<16xi1>, vector<16xi32>
      %parallel_loop3A_753 = vector.shape_cast %parallel_loop3A_752 : vector<16xi32> to vector<16x1xi32>
      %parallel_loop3A_754 = vector.shape_cast %parallel_loop3A_753 : vector<16x1xi32> to vector<16xi32>
      %parallel_loop3A_755 = tpu.dynamic_gather %parallel_loop3A_735[%parallel_loop3A_754] in [0] : vector<16xf32>, vector<16xi32> -> vector<16xf32>
      %parallel_loop3A_756 = arith.select %lt3A_41, %parallel_loop3A_745, %parallel_loop3A_755 : vector<16xi1>, vector<16xf32>
      %parallel_loop3A_757 = arith.constant 8 : i32
      %parallel_loop3A_758 = arith.addi %parallel_loop3A_95, %parallel_loop3A_757 : i32
      %parallel_loop3A_759 = arith.index_cast %parallel_loop3A_758 : i32 to index
      %parallel_loop3A_760 = arith.constant 0 : index
      %parallel_loop3A_761 = tpu.vector_load %arg7[%parallel_loop3A_759, %parallel_loop3A_760] {strides = array<i32>} : memref<512x128xf32, #tpu.memory_space<vmem>>, vector<16xf32>,
      %parallel_loop3A_762 = arith.mulf %parallel_loop3A_761, %get3A_21 : vector<16xf32>
      %parallel_loop3A_763 = arith.constant 8 : i32
      %parallel_loop3A_764 = arith.addi %parallel_loop3A_95, %parallel_loop3A_763 : i32
      %parallel_loop3A_765 = arith.index_cast %parallel_loop3A_764 : i32 to index
      %parallel_loop3A_766 = arith.constant 16 : index
      %parallel_loop3A_767 = tpu.vector_load %arg7[%parallel_loop3A_765, %parallel_loop3A_766] {strides = array<i32>} : memref<512x128xf32, #tpu.memory_space<vmem>>, vector<16xf32>,
      %parallel_loop3A_768 = arith.mulf %parallel_loop3A_767, %get3A_23 : vector<16xf32>
      %parallel_loop3A_769 = arith.addf %parallel_loop3A_768, %parallel_loop3A_762 : vector<16xf32>
      %parallel_loop3A_770 = arith.constant 8 : i32
      %parallel_loop3A_771 = arith.addi %parallel_loop3A_95, %parallel_loop3A_770 : i32
      %parallel_loop3A_772 = arith.index_cast %parallel_loop3A_771 : i32 to index
      %parallel_loop3A_773 = arith.constant 32 : index
      %parallel_loop3A_774 = tpu.vector_load %arg7[%parallel_loop3A_772, %parallel_loop3A_773] {strides = array<i32>} : memref<512x128xf32, #tpu.memory_space<vmem>>, vector<16xf32>,
      %parallel_loop3A_775 = arith.mulf %parallel_loop3A_774, %get3A_25 : vector<16xf32>
      %parallel_loop3A_776 = arith.addf %parallel_loop3A_775, %parallel_loop3A_769 : vector<16xf32>
      %parallel_loop3A_777 = arith.constant 8 : i32
      %parallel_loop3A_778 = arith.addi %parallel_loop3A_95, %parallel_loop3A_777 : i32
      %parallel_loop3A_779 = arith.index_cast %parallel_loop3A_778 : i32 to index
      %parallel_loop3A_780 = arith.constant 48 : index
      %parallel_loop3A_781 = tpu.vector_load %arg7[%parallel_loop3A_779, %parallel_loop3A_780] {strides = array<i32>} : memref<512x128xf32, #tpu.memory_space<vmem>>, vector<16xf32>,
      %parallel_loop3A_782 = arith.mulf %parallel_loop3A_781, %get3A_27 : vector<16xf32>
      %parallel_loop3A_783 = arith.addf %parallel_loop3A_782, %parallel_loop3A_776 : vector<16xf32>
      %parallel_loop3A_784 = arith.constant 8 : i32
      %parallel_loop3A_785 = arith.addi %parallel_loop3A_95, %parallel_loop3A_784 : i32
      %parallel_loop3A_786 = arith.index_cast %parallel_loop3A_785 : i32 to index
      %parallel_loop3A_787 = arith.constant 64 : index
      %parallel_loop3A_788 = tpu.vector_load %arg7[%parallel_loop3A_786, %parallel_loop3A_787] {strides = array<i32>} : memref<512x128xf32, #tpu.memory_space<vmem>>, vector<16xf32>,
      %parallel_loop3A_789 = arith.mulf %parallel_loop3A_788, %get3A_29 : vector<16xf32>
      %parallel_loop3A_790 = arith.addf %parallel_loop3A_789, %parallel_loop3A_783 : vector<16xf32>
      %parallel_loop3A_791 = arith.constant 8 : i32
      %parallel_loop3A_792 = arith.addi %parallel_loop3A_95, %parallel_loop3A_791 : i32
      %parallel_loop3A_793 = arith.index_cast %parallel_loop3A_792 : i32 to index
      %parallel_loop3A_794 = arith.constant 80 : index
      %parallel_loop3A_795 = tpu.vector_load %arg7[%parallel_loop3A_793, %parallel_loop3A_794] {strides = array<i32>} : memref<512x128xf32, #tpu.memory_space<vmem>>, vector<16xf32>,
      %parallel_loop3A_796 = arith.mulf %parallel_loop3A_795, %get3A_31 : vector<16xf32>
      %parallel_loop3A_797 = arith.addf %parallel_loop3A_796, %parallel_loop3A_790 : vector<16xf32>
      %parallel_loop3A_798 = arith.constant 8 : i32
      %parallel_loop3A_799 = arith.addi %parallel_loop3A_95, %parallel_loop3A_798 : i32
      %parallel_loop3A_800 = arith.index_cast %parallel_loop3A_799 : i32 to index
      %parallel_loop3A_801 = arith.constant 96 : index
      %parallel_loop3A_802 = tpu.vector_load %arg7[%parallel_loop3A_800, %parallel_loop3A_801] {strides = array<i32>} : memref<512x128xf32, #tpu.memory_space<vmem>>, vector<16xf32>,
      %parallel_loop3A_803 = arith.mulf %parallel_loop3A_802, %get3A_33 : vector<16xf32>
      %parallel_loop3A_804 = arith.addf %parallel_loop3A_803, %parallel_loop3A_797 : vector<16xf32>
      %parallel_loop3A_805 = arith.constant 8 : i32
      %parallel_loop3A_806 = arith.addi %parallel_loop3A_95, %parallel_loop3A_805 : i32
      %parallel_loop3A_807 = arith.index_cast %parallel_loop3A_806 : i32 to index
      %parallel_loop3A_808 = arith.constant 112 : index
      %parallel_loop3A_809 = tpu.vector_load %arg7[%parallel_loop3A_807, %parallel_loop3A_808] {strides = array<i32>} : memref<512x128xf32, #tpu.memory_space<vmem>>, vector<16xf32>,
      %parallel_loop3A_810 = arith.mulf %parallel_loop3A_809, %get3A_35 : vector<16xf32>
      %parallel_loop3A_811 = arith.addf %parallel_loop3A_810, %parallel_loop3A_804 : vector<16xf32>
      %parallel_loop3A_812 = arith.constant 9 : i32
      %parallel_loop3A_813 = arith.addi %parallel_loop3A_95, %parallel_loop3A_812 : i32
      %parallel_loop3A_814 = arith.index_cast %parallel_loop3A_813 : i32 to index
      %parallel_loop3A_815 = arith.constant 0 : index
      %parallel_loop3A_816 = tpu.vector_load %arg7[%parallel_loop3A_814, %parallel_loop3A_815] {strides = array<i32>} : memref<512x128xf32, #tpu.memory_space<vmem>>, vector<16xf32>,
      %parallel_loop3A_817 = arith.mulf %parallel_loop3A_816, %get3A_21 : vector<16xf32>
      %parallel_loop3A_818 = arith.constant 9 : i32
      %parallel_loop3A_819 = arith.addi %parallel_loop3A_95, %parallel_loop3A_818 : i32
      %parallel_loop3A_820 = arith.index_cast %parallel_loop3A_819 : i32 to index
      %parallel_loop3A_821 = arith.constant 16 : index
      %parallel_loop3A_822 = tpu.vector_load %arg7[%parallel_loop3A_820, %parallel_loop3A_821] {strides = array<i32>} : memref<512x128xf32, #tpu.memory_space<vmem>>, vector<16xf32>,
      %parallel_loop3A_823 = arith.mulf %parallel_loop3A_822, %get3A_23 : vector<16xf32>
      %parallel_loop3A_824 = arith.addf %parallel_loop3A_823, %parallel_loop3A_817 : vector<16xf32>
      %parallel_loop3A_825 = arith.constant 9 : i32
      %parallel_loop3A_826 = arith.addi %parallel_loop3A_95, %parallel_loop3A_825 : i32
      %parallel_loop3A_827 = arith.index_cast %parallel_loop3A_826 : i32 to index
      %parallel_loop3A_828 = arith.constant 32 : index
      %parallel_loop3A_829 = tpu.vector_load %arg7[%parallel_loop3A_827, %parallel_loop3A_828] {strides = array<i32>} : memref<512x128xf32, #tpu.memory_space<vmem>>, vector<16xf32>,
      %parallel_loop3A_830 = arith.mulf %parallel_loop3A_829, %get3A_25 : vector<16xf32>
      %parallel_loop3A_831 = arith.addf %parallel_loop3A_830, %parallel_loop3A_824 : vector<16xf32>
      %parallel_loop3A_832 = arith.constant 9 : i32
      %parallel_loop3A_833 = arith.addi %parallel_loop3A_95, %parallel_loop3A_832 : i32
      %parallel_loop3A_834 = arith.index_cast %parallel_loop3A_833 : i32 to index
      %parallel_loop3A_835 = arith.constant 48 : index
      %parallel_loop3A_836 = tpu.vector_load %arg7[%parallel_loop3A_834, %parallel_loop3A_835] {strides = array<i32>} : memref<512x128xf32, #tpu.memory_space<vmem>>, vector<16xf32>,
      %parallel_loop3A_837 = arith.mulf %parallel_loop3A_836, %get3A_27 : vector<16xf32>
      %parallel_loop3A_838 = arith.addf %parallel_loop3A_837, %parallel_loop3A_831 : vector<16xf32>
      %parallel_loop3A_839 = arith.constant 9 : i32
      %parallel_loop3A_840 = arith.addi %parallel_loop3A_95, %parallel_loop3A_839 : i32
      %parallel_loop3A_841 = arith.index_cast %parallel_loop3A_840 : i32 to index
      %parallel_loop3A_842 = arith.constant 64 : index
      %parallel_loop3A_843 = tpu.vector_load %arg7[%parallel_loop3A_841, %parallel_loop3A_842] {strides = array<i32>} : memref<512x128xf32, #tpu.memory_space<vmem>>, vector<16xf32>,
      %parallel_loop3A_844 = arith.mulf %parallel_loop3A_843, %get3A_29 : vector<16xf32>
      %parallel_loop3A_845 = arith.addf %parallel_loop3A_844, %parallel_loop3A_838 : vector<16xf32>
      %parallel_loop3A_846 = arith.constant 9 : i32
      %parallel_loop3A_847 = arith.addi %parallel_loop3A_95, %parallel_loop3A_846 : i32
      %parallel_loop3A_848 = arith.index_cast %parallel_loop3A_847 : i32 to index
      %parallel_loop3A_849 = arith.constant 80 : index
      %parallel_loop3A_850 = tpu.vector_load %arg7[%parallel_loop3A_848, %parallel_loop3A_849] {strides = array<i32>} : memref<512x128xf32, #tpu.memory_space<vmem>>, vector<16xf32>,
      %parallel_loop3A_851 = arith.mulf %parallel_loop3A_850, %get3A_31 : vector<16xf32>
      %parallel_loop3A_852 = arith.addf %parallel_loop3A_851, %parallel_loop3A_845 : vector<16xf32>
      %parallel_loop3A_853 = arith.constant 9 : i32
      %parallel_loop3A_854 = arith.addi %parallel_loop3A_95, %parallel_loop3A_853 : i32
      %parallel_loop3A_855 = arith.index_cast %parallel_loop3A_854 : i32 to index
      %parallel_loop3A_856 = arith.constant 96 : index
      %parallel_loop3A_857 = tpu.vector_load %arg7[%parallel_loop3A_855, %parallel_loop3A_856] {strides = array<i32>} : memref<512x128xf32, #tpu.memory_space<vmem>>, vector<16xf32>,
      %parallel_loop3A_858 = arith.mulf %parallel_loop3A_857, %get3A_33 : vector<16xf32>
      %parallel_loop3A_859 = arith.addf %parallel_loop3A_858, %parallel_loop3A_852 : vector<16xf32>
      %parallel_loop3A_860 = arith.constant 9 : i32
      %parallel_loop3A_861 = arith.addi %parallel_loop3A_95, %parallel_loop3A_860 : i32
      %parallel_loop3A_862 = arith.index_cast %parallel_loop3A_861 : i32 to index
      %parallel_loop3A_863 = arith.constant 112 : index
      %parallel_loop3A_864 = tpu.vector_load %arg7[%parallel_loop3A_862, %parallel_loop3A_863] {strides = array<i32>} : memref<512x128xf32, #tpu.memory_space<vmem>>, vector<16xf32>,
      %parallel_loop3A_865 = arith.mulf %parallel_loop3A_864, %get3A_35 : vector<16xf32>
      %parallel_loop3A_866 = arith.addf %parallel_loop3A_865, %parallel_loop3A_859 : vector<16xf32>
      %parallel_loop3A_867 = arith.constant 0 : i32
      %parallel_loop3A_868 = vector.broadcast %parallel_loop3A_867 : i32 to vector<16xi32>
      %parallel_loop3A_869 = arith.cmpi slt, %xor3A_43, %parallel_loop3A_868 : vector<16xi32>
      %parallel_loop3A_870 = arith.constant 16 : i32
      %parallel_loop3A_871 = vector.broadcast %parallel_loop3A_870 : i32 to vector<16xi32>
      %parallel_loop3A_872 = arith.addi %xor3A_43, %parallel_loop3A_871 : vector<16xi32>
      %parallel_loop3A_873 = arith.select %parallel_loop3A_869, %parallel_loop3A_872, %xor3A_43 : vector<16xi1>, vector<16xi32>
      %parallel_loop3A_874 = vector.shape_cast %parallel_loop3A_873 : vector<16xi32> to vector<16x1xi32>
      %parallel_loop3A_875 = vector.shape_cast %parallel_loop3A_874 : vector<16x1xi32> to vector<16xi32>
      %parallel_loop3A_876 = tpu.dynamic_gather %parallel_loop3A_811[%parallel_loop3A_875] in [0] : vector<16xf32>, vector<16xi32> -> vector<16xf32>
      %parallel_loop3A_877 = arith.addf %parallel_loop3A_811, %parallel_loop3A_876 : vector<16xf32>
      %parallel_loop3A_878 = arith.constant 0 : i32
      %parallel_loop3A_879 = vector.broadcast %parallel_loop3A_878 : i32 to vector<16xi32>
      %parallel_loop3A_880 = arith.cmpi slt, %xor3A_43, %parallel_loop3A_879 : vector<16xi32>
      %parallel_loop3A_881 = arith.constant 16 : i32
      %parallel_loop3A_882 = vector.broadcast %parallel_loop3A_881 : i32 to vector<16xi32>
      %parallel_loop3A_883 = arith.addi %xor3A_43, %parallel_loop3A_882 : vector<16xi32>
      %parallel_loop3A_884 = arith.select %parallel_loop3A_880, %parallel_loop3A_883, %xor3A_43 : vector<16xi1>, vector<16xi32>
      %parallel_loop3A_885 = vector.shape_cast %parallel_loop3A_884 : vector<16xi32> to vector<16x1xi32>
      %parallel_loop3A_886 = vector.shape_cast %parallel_loop3A_885 : vector<16x1xi32> to vector<16xi32>
      %parallel_loop3A_887 = tpu.dynamic_gather %parallel_loop3A_866[%parallel_loop3A_886] in [0] : vector<16xf32>, vector<16xi32> -> vector<16xf32>
      %parallel_loop3A_888 = arith.addf %parallel_loop3A_866, %parallel_loop3A_887 : vector<16xf32>
      %parallel_loop3A_889 = arith.select %lt3A_41, %parallel_loop3A_877, %parallel_loop3A_888 : vector<16xi1>, vector<16xf32>
      %parallel_loop3A_890 = arith.constant 10 : i32
      %parallel_loop3A_891 = arith.addi %parallel_loop3A_95, %parallel_loop3A_890 : i32
      %parallel_loop3A_892 = arith.index_cast %parallel_loop3A_891 : i32 to index
      %parallel_loop3A_893 = arith.constant 0 : index
      %parallel_loop3A_894 = tpu.vector_load %arg7[%parallel_loop3A_892, %parallel_loop3A_893] {strides = array<i32>} : memref<512x128xf32, #tpu.memory_space<vmem>>, vector<16xf32>,
      %parallel_loop3A_895 = arith.mulf %parallel_loop3A_894, %get3A_21 : vector<16xf32>
      %parallel_loop3A_896 = arith.constant 10 : i32
      %parallel_loop3A_897 = arith.addi %parallel_loop3A_95, %parallel_loop3A_896 : i32
      %parallel_loop3A_898 = arith.index_cast %parallel_loop3A_897 : i32 to index
      %parallel_loop3A_899 = arith.constant 16 : index
      %parallel_loop3A_900 = tpu.vector_load %arg7[%parallel_loop3A_898, %parallel_loop3A_899] {strides = array<i32>} : memref<512x128xf32, #tpu.memory_space<vmem>>, vector<16xf32>,
      %parallel_loop3A_901 = arith.mulf %parallel_loop3A_900, %get3A_23 : vector<16xf32>
      %parallel_loop3A_902 = arith.addf %parallel_loop3A_901, %parallel_loop3A_895 : vector<16xf32>
      %parallel_loop3A_903 = arith.constant 10 : i32
      %parallel_loop3A_904 = arith.addi %parallel_loop3A_95, %parallel_loop3A_903 : i32
      %parallel_loop3A_905 = arith.index_cast %parallel_loop3A_904 : i32 to index
      %parallel_loop3A_906 = arith.constant 32 : index
      %parallel_loop3A_907 = tpu.vector_load %arg7[%parallel_loop3A_905, %parallel_loop3A_906] {strides = array<i32>} : memref<512x128xf32, #tpu.memory_space<vmem>>, vector<16xf32>,
      %parallel_loop3A_908 = arith.mulf %parallel_loop3A_907, %get3A_25 : vector<16xf32>
      %parallel_loop3A_909 = arith.addf %parallel_loop3A_908, %parallel_loop3A_902 : vector<16xf32>
      %parallel_loop3A_910 = arith.constant 10 : i32
      %parallel_loop3A_911 = arith.addi %parallel_loop3A_95, %parallel_loop3A_910 : i32
      %parallel_loop3A_912 = arith.index_cast %parallel_loop3A_911 : i32 to index
      %parallel_loop3A_913 = arith.constant 48 : index
      %parallel_loop3A_914 = tpu.vector_load %arg7[%parallel_loop3A_912, %parallel_loop3A_913] {strides = array<i32>} : memref<512x128xf32, #tpu.memory_space<vmem>>, vector<16xf32>,
      %parallel_loop3A_915 = arith.mulf %parallel_loop3A_914, %get3A_27 : vector<16xf32>
      %parallel_loop3A_916 = arith.addf %parallel_loop3A_915, %parallel_loop3A_909 : vector<16xf32>
      %parallel_loop3A_917 = arith.constant 10 : i32
      %parallel_loop3A_918 = arith.addi %parallel_loop3A_95, %parallel_loop3A_917 : i32
      %parallel_loop3A_919 = arith.index_cast %parallel_loop3A_918 : i32 to index
      %parallel_loop3A_920 = arith.constant 64 : index
      %parallel_loop3A_921 = tpu.vector_load %arg7[%parallel_loop3A_919, %parallel_loop3A_920] {strides = array<i32>} : memref<512x128xf32, #tpu.memory_space<vmem>>, vector<16xf32>,
      %parallel_loop3A_922 = arith.mulf %parallel_loop3A_921, %get3A_29 : vector<16xf32>
      %parallel_loop3A_923 = arith.addf %parallel_loop3A_922, %parallel_loop3A_916 : vector<16xf32>
      %parallel_loop3A_924 = arith.constant 10 : i32
      %parallel_loop3A_925 = arith.addi %parallel_loop3A_95, %parallel_loop3A_924 : i32
      %parallel_loop3A_926 = arith.index_cast %parallel_loop3A_925 : i32 to index
      %parallel_loop3A_927 = arith.constant 80 : index
      %parallel_loop3A_928 = tpu.vector_load %arg7[%parallel_loop3A_926, %parallel_loop3A_927] {strides = array<i32>} : memref<512x128xf32, #tpu.memory_space<vmem>>, vector<16xf32>,
      %parallel_loop3A_929 = arith.mulf %parallel_loop3A_928, %get3A_31 : vector<16xf32>
      %parallel_loop3A_930 = arith.addf %parallel_loop3A_929, %parallel_loop3A_923 : vector<16xf32>
      %parallel_loop3A_931 = arith.constant 10 : i32
      %parallel_loop3A_932 = arith.addi %parallel_loop3A_95, %parallel_loop3A_931 : i32
      %parallel_loop3A_933 = arith.index_cast %parallel_loop3A_932 : i32 to index
      %parallel_loop3A_934 = arith.constant 96 : index
      %parallel_loop3A_935 = tpu.vector_load %arg7[%parallel_loop3A_933, %parallel_loop3A_934] {strides = array<i32>} : memref<512x128xf32, #tpu.memory_space<vmem>>, vector<16xf32>,
      %parallel_loop3A_936 = arith.mulf %parallel_loop3A_935, %get3A_33 : vector<16xf32>
      %parallel_loop3A_937 = arith.addf %parallel_loop3A_936, %parallel_loop3A_930 : vector<16xf32>
      %parallel_loop3A_938 = arith.constant 10 : i32
      %parallel_loop3A_939 = arith.addi %parallel_loop3A_95, %parallel_loop3A_938 : i32
      %parallel_loop3A_940 = arith.index_cast %parallel_loop3A_939 : i32 to index
      %parallel_loop3A_941 = arith.constant 112 : index
      %parallel_loop3A_942 = tpu.vector_load %arg7[%parallel_loop3A_940, %parallel_loop3A_941] {strides = array<i32>} : memref<512x128xf32, #tpu.memory_space<vmem>>, vector<16xf32>,
      %parallel_loop3A_943 = arith.mulf %parallel_loop3A_942, %get3A_35 : vector<16xf32>
      %parallel_loop3A_944 = arith.addf %parallel_loop3A_943, %parallel_loop3A_937 : vector<16xf32>
      %parallel_loop3A_945 = arith.constant 11 : i32
      %parallel_loop3A_946 = arith.addi %parallel_loop3A_95, %parallel_loop3A_945 : i32
      %parallel_loop3A_947 = arith.index_cast %parallel_loop3A_946 : i32 to index
      %parallel_loop3A_948 = arith.constant 0 : index
      %parallel_loop3A_949 = tpu.vector_load %arg7[%parallel_loop3A_947, %parallel_loop3A_948] {strides = array<i32>} : memref<512x128xf32, #tpu.memory_space<vmem>>, vector<16xf32>,
      %parallel_loop3A_950 = arith.mulf %parallel_loop3A_949, %get3A_21 : vector<16xf32>
      %parallel_loop3A_951 = arith.constant 11 : i32
      %parallel_loop3A_952 = arith.addi %parallel_loop3A_95, %parallel_loop3A_951 : i32
      %parallel_loop3A_953 = arith.index_cast %parallel_loop3A_952 : i32 to index
      %parallel_loop3A_954 = arith.constant 16 : index
      %parallel_loop3A_955 = tpu.vector_load %arg7[%parallel_loop3A_953, %parallel_loop3A_954] {strides = array<i32>} : memref<512x128xf32, #tpu.memory_space<vmem>>, vector<16xf32>,
      %parallel_loop3A_956 = arith.mulf %parallel_loop3A_955, %get3A_23 : vector<16xf32>
      %parallel_loop3A_957 = arith.addf %parallel_loop3A_956, %parallel_loop3A_950 : vector<16xf32>
      %parallel_loop3A_958 = arith.constant 11 : i32
      %parallel_loop3A_959 = arith.addi %parallel_loop3A_95, %parallel_loop3A_958 : i32
      %parallel_loop3A_960 = arith.index_cast %parallel_loop3A_959 : i32 to index
      %parallel_loop3A_961 = arith.constant 32 : index
      %parallel_loop3A_962 = tpu.vector_load %arg7[%parallel_loop3A_960, %parallel_loop3A_961] {strides = array<i32>} : memref<512x128xf32, #tpu.memory_space<vmem>>, vector<16xf32>,
      %parallel_loop3A_963 = arith.mulf %parallel_loop3A_962, %get3A_25 : vector<16xf32>
      %parallel_loop3A_964 = arith.addf %parallel_loop3A_963, %parallel_loop3A_957 : vector<16xf32>
      %parallel_loop3A_965 = arith.constant 11 : i32
      %parallel_loop3A_966 = arith.addi %parallel_loop3A_95, %parallel_loop3A_965 : i32
      %parallel_loop3A_967 = arith.index_cast %parallel_loop3A_966 : i32 to index
      %parallel_loop3A_968 = arith.constant 48 : index
      %parallel_loop3A_969 = tpu.vector_load %arg7[%parallel_loop3A_967, %parallel_loop3A_968] {strides = array<i32>} : memref<512x128xf32, #tpu.memory_space<vmem>>, vector<16xf32>,
      %parallel_loop3A_970 = arith.mulf %parallel_loop3A_969, %get3A_27 : vector<16xf32>
      %parallel_loop3A_971 = arith.addf %parallel_loop3A_970, %parallel_loop3A_964 : vector<16xf32>
      %parallel_loop3A_972 = arith.constant 11 : i32
      %parallel_loop3A_973 = arith.addi %parallel_loop3A_95, %parallel_loop3A_972 : i32
      %parallel_loop3A_974 = arith.index_cast %parallel_loop3A_973 : i32 to index
      %parallel_loop3A_975 = arith.constant 64 : index
      %parallel_loop3A_976 = tpu.vector_load %arg7[%parallel_loop3A_974, %parallel_loop3A_975] {strides = array<i32>} : memref<512x128xf32, #tpu.memory_space<vmem>>, vector<16xf32>,
      %parallel_loop3A_977 = arith.mulf %parallel_loop3A_976, %get3A_29 : vector<16xf32>
      %parallel_loop3A_978 = arith.addf %parallel_loop3A_977, %parallel_loop3A_971 : vector<16xf32>
      %parallel_loop3A_979 = arith.constant 11 : i32
      %parallel_loop3A_980 = arith.addi %parallel_loop3A_95, %parallel_loop3A_979 : i32
      %parallel_loop3A_981 = arith.index_cast %parallel_loop3A_980 : i32 to index
      %parallel_loop3A_982 = arith.constant 80 : index
      %parallel_loop3A_983 = tpu.vector_load %arg7[%parallel_loop3A_981, %parallel_loop3A_982] {strides = array<i32>} : memref<512x128xf32, #tpu.memory_space<vmem>>, vector<16xf32>,
      %parallel_loop3A_984 = arith.mulf %parallel_loop3A_983, %get3A_31 : vector<16xf32>
      %parallel_loop3A_985 = arith.addf %parallel_loop3A_984, %parallel_loop3A_978 : vector<16xf32>
      %parallel_loop3A_986 = arith.constant 11 : i32
      %parallel_loop3A_987 = arith.addi %parallel_loop3A_95, %parallel_loop3A_986 : i32
      %parallel_loop3A_988 = arith.index_cast %parallel_loop3A_987 : i32 to index
      %parallel_loop3A_989 = arith.constant 96 : index
      %parallel_loop3A_990 = tpu.vector_load %arg7[%parallel_loop3A_988, %parallel_loop3A_989] {strides = array<i32>} : memref<512x128xf32, #tpu.memory_space<vmem>>, vector<16xf32>,
      %parallel_loop3A_991 = arith.mulf %parallel_loop3A_990, %get3A_33 : vector<16xf32>
      %parallel_loop3A_992 = arith.addf %parallel_loop3A_991, %parallel_loop3A_985 : vector<16xf32>
      %parallel_loop3A_993 = arith.constant 11 : i32
      %parallel_loop3A_994 = arith.addi %parallel_loop3A_95, %parallel_loop3A_993 : i32
      %parallel_loop3A_995 = arith.index_cast %parallel_loop3A_994 : i32 to index
      %parallel_loop3A_996 = arith.constant 112 : index
      %parallel_loop3A_997 = tpu.vector_load %arg7[%parallel_loop3A_995, %parallel_loop3A_996] {strides = array<i32>} : memref<512x128xf32, #tpu.memory_space<vmem>>, vector<16xf32>,
      %parallel_loop3A_998 = arith.mulf %parallel_loop3A_997, %get3A_35 : vector<16xf32>
      %parallel_loop3A_999 = arith.addf %parallel_loop3A_998, %parallel_loop3A_992 : vector<16xf32>
      %parallel_loop3A_1000 = arith.constant 0 : i32
      %parallel_loop3A_1001 = vector.broadcast %parallel_loop3A_1000 : i32 to vector<16xi32>
      %parallel_loop3A_1002 = arith.cmpi slt, %xor3A_43, %parallel_loop3A_1001 : vector<16xi32>
      %parallel_loop3A_1003 = arith.constant 16 : i32
      %parallel_loop3A_1004 = vector.broadcast %parallel_loop3A_1003 : i32 to vector<16xi32>
      %parallel_loop3A_1005 = arith.addi %xor3A_43, %parallel_loop3A_1004 : vector<16xi32>
      %parallel_loop3A_1006 = arith.select %parallel_loop3A_1002, %parallel_loop3A_1005, %xor3A_43 : vector<16xi1>, vector<16xi32>
      %parallel_loop3A_1007 = vector.shape_cast %parallel_loop3A_1006 : vector<16xi32> to vector<16x1xi32>
      %parallel_loop3A_1008 = vector.shape_cast %parallel_loop3A_1007 : vector<16x1xi32> to vector<16xi32>
      %parallel_loop3A_1009 = tpu.dynamic_gather %parallel_loop3A_944[%parallel_loop3A_1008] in [0] : vector<16xf32>, vector<16xi32> -> vector<16xf32>
      %parallel_loop3A_1010 = arith.addf %parallel_loop3A_944, %parallel_loop3A_1009 : vector<16xf32>
      %parallel_loop3A_1011 = arith.constant 0 : i32
      %parallel_loop3A_1012 = vector.broadcast %parallel_loop3A_1011 : i32 to vector<16xi32>
      %parallel_loop3A_1013 = arith.cmpi slt, %xor3A_43, %parallel_loop3A_1012 : vector<16xi32>
      %parallel_loop3A_1014 = arith.constant 16 : i32
      %parallel_loop3A_1015 = vector.broadcast %parallel_loop3A_1014 : i32 to vector<16xi32>
      %parallel_loop3A_1016 = arith.addi %xor3A_43, %parallel_loop3A_1015 : vector<16xi32>
      %parallel_loop3A_1017 = arith.select %parallel_loop3A_1013, %parallel_loop3A_1016, %xor3A_43 : vector<16xi1>, vector<16xi32>
      %parallel_loop3A_1018 = vector.shape_cast %parallel_loop3A_1017 : vector<16xi32> to vector<16x1xi32>
      %parallel_loop3A_1019 = vector.shape_cast %parallel_loop3A_1018 : vector<16x1xi32> to vector<16xi32>
      %parallel_loop3A_1020 = tpu.dynamic_gather %parallel_loop3A_999[%parallel_loop3A_1019] in [0] : vector<16xf32>, vector<16xi32> -> vector<16xf32>
      %parallel_loop3A_1021 = arith.addf %parallel_loop3A_999, %parallel_loop3A_1020 : vector<16xf32>
      %parallel_loop3A_1022 = arith.select %lt3A_41, %parallel_loop3A_1010, %parallel_loop3A_1021 : vector<16xi1>, vector<16xf32>
      %parallel_loop3A_1023 = arith.constant 0 : i32
      %parallel_loop3A_1024 = vector.broadcast %parallel_loop3A_1023 : i32 to vector<16xi32>
      %parallel_loop3A_1025 = arith.cmpi slt, %xor3A_46, %parallel_loop3A_1024 : vector<16xi32>
      %parallel_loop3A_1026 = arith.constant 16 : i32
      %parallel_loop3A_1027 = vector.broadcast %parallel_loop3A_1026 : i32 to vector<16xi32>
      %parallel_loop3A_1028 = arith.addi %xor3A_46, %parallel_loop3A_1027 : vector<16xi32>
      %parallel_loop3A_1029 = arith.select %parallel_loop3A_1025, %parallel_loop3A_1028, %xor3A_46 : vector<16xi1>, vector<16xi32>
      %parallel_loop3A_1030 = vector.shape_cast %parallel_loop3A_1029 : vector<16xi32> to vector<16x1xi32>
      %parallel_loop3A_1031 = vector.shape_cast %parallel_loop3A_1030 : vector<16x1xi32> to vector<16xi32>
      %parallel_loop3A_1032 = tpu.dynamic_gather %parallel_loop3A_889[%parallel_loop3A_1031] in [0] : vector<16xf32>, vector<16xi32> -> vector<16xf32>
      %parallel_loop3A_1033 = arith.addf %parallel_loop3A_889, %parallel_loop3A_1032 : vector<16xf32>
      %parallel_loop3A_1034 = arith.constant 0 : i32
      %parallel_loop3A_1035 = vector.broadcast %parallel_loop3A_1034 : i32 to vector<16xi32>
      %parallel_loop3A_1036 = arith.cmpi slt, %xor3A_46, %parallel_loop3A_1035 : vector<16xi32>
      %parallel_loop3A_1037 = arith.constant 16 : i32
      %parallel_loop3A_1038 = vector.broadcast %parallel_loop3A_1037 : i32 to vector<16xi32>
      %parallel_loop3A_1039 = arith.addi %xor3A_46, %parallel_loop3A_1038 : vector<16xi32>
      %parallel_loop3A_1040 = arith.select %parallel_loop3A_1036, %parallel_loop3A_1039, %xor3A_46 : vector<16xi1>, vector<16xi32>
      %parallel_loop3A_1041 = vector.shape_cast %parallel_loop3A_1040 : vector<16xi32> to vector<16x1xi32>
      %parallel_loop3A_1042 = vector.shape_cast %parallel_loop3A_1041 : vector<16x1xi32> to vector<16xi32>
      %parallel_loop3A_1043 = tpu.dynamic_gather %parallel_loop3A_1022[%parallel_loop3A_1042] in [0] : vector<16xf32>, vector<16xi32> -> vector<16xf32>
      %parallel_loop3A_1044 = arith.addf %parallel_loop3A_1022, %parallel_loop3A_1043 : vector<16xf32>
      %parallel_loop3A_1045 = arith.constant 0 : i32
      %parallel_loop3A_1046 = vector.broadcast %parallel_loop3A_1045 : i32 to vector<16xi32>
      %parallel_loop3A_1047 = arith.cmpi slt, %or3A, %parallel_loop3A_1046 : vector<16xi32>
      %parallel_loop3A_1048 = arith.constant 16 : i32
      %parallel_loop3A_1049 = vector.broadcast %parallel_loop3A_1048 : i32 to vector<16xi32>
      %parallel_loop3A_1050 = arith.addi %or3A, %parallel_loop3A_1049 : vector<16xi32>
      %parallel_loop3A_1051 = arith.select %parallel_loop3A_1047, %parallel_loop3A_1050, %or3A : vector<16xi1>, vector<16xi32>
      %parallel_loop3A_1052 = vector.shape_cast %parallel_loop3A_1051 : vector<16xi32> to vector<16x1xi32>
      %parallel_loop3A_1053 = vector.shape_cast %parallel_loop3A_1052 : vector<16x1xi32> to vector<16xi32>
      %parallel_loop3A_1054 = tpu.dynamic_gather %parallel_loop3A_1033[%parallel_loop3A_1053] in [0] : vector<16xf32>, vector<16xi32> -> vector<16xf32>
      %parallel_loop3A_1055 = arith.constant 0 : i32
      %parallel_loop3A_1056 = vector.broadcast %parallel_loop3A_1055 : i32 to vector<16xi32>
      %parallel_loop3A_1057 = arith.cmpi slt, %or3A, %parallel_loop3A_1056 : vector<16xi32>
      %parallel_loop3A_1058 = arith.constant 16 : i32
      %parallel_loop3A_1059 = vector.broadcast %parallel_loop3A_1058 : i32 to vector<16xi32>
      %parallel_loop3A_1060 = arith.addi %or3A, %parallel_loop3A_1059 : vector<16xi32>
      %parallel_loop3A_1061 = arith.select %parallel_loop3A_1057, %parallel_loop3A_1060, %or3A : vector<16xi1>, vector<16xi32>
      %parallel_loop3A_1062 = vector.shape_cast %parallel_loop3A_1061 : vector<16xi32> to vector<16x1xi32>
      %parallel_loop3A_1063 = vector.shape_cast %parallel_loop3A_1062 : vector<16x1xi32> to vector<16xi32>
      %parallel_loop3A_1064 = tpu.dynamic_gather %parallel_loop3A_1044[%parallel_loop3A_1063] in [0] : vector<16xf32>, vector<16xi32> -> vector<16xf32>
      %parallel_loop3A_1065 = arith.select %lt3A_41, %parallel_loop3A_1054, %parallel_loop3A_1064 : vector<16xi1>, vector<16xf32>
      %parallel_loop3A_1066 = arith.constant 12 : i32
      %parallel_loop3A_1067 = arith.addi %parallel_loop3A_95, %parallel_loop3A_1066 : i32
      %parallel_loop3A_1068 = arith.index_cast %parallel_loop3A_1067 : i32 to index
      %parallel_loop3A_1069 = arith.constant 0 : index
      %parallel_loop3A_1070 = tpu.vector_load %arg7[%parallel_loop3A_1068, %parallel_loop3A_1069] {strides = array<i32>} : memref<512x128xf32, #tpu.memory_space<vmem>>, vector<16xf32>,
      %parallel_loop3A_1071 = arith.mulf %parallel_loop3A_1070, %get3A_21 : vector<16xf32>
      %parallel_loop3A_1072 = arith.constant 12 : i32
      %parallel_loop3A_1073 = arith.addi %parallel_loop3A_95, %parallel_loop3A_1072 : i32
      %parallel_loop3A_1074 = arith.index_cast %parallel_loop3A_1073 : i32 to index
      %parallel_loop3A_1075 = arith.constant 16 : index
      %parallel_loop3A_1076 = tpu.vector_load %arg7[%parallel_loop3A_1074, %parallel_loop3A_1075] {strides = array<i32>} : memref<512x128xf32, #tpu.memory_space<vmem>>, vector<16xf32>,
      %parallel_loop3A_1077 = arith.mulf %parallel_loop3A_1076, %get3A_23 : vector<16xf32>
      %parallel_loop3A_1078 = arith.addf %parallel_loop3A_1077, %parallel_loop3A_1071 : vector<16xf32>
      %parallel_loop3A_1079 = arith.constant 12 : i32
      %parallel_loop3A_1080 = arith.addi %parallel_loop3A_95, %parallel_loop3A_1079 : i32
      %parallel_loop3A_1081 = arith.index_cast %parallel_loop3A_1080 : i32 to index
      %parallel_loop3A_1082 = arith.constant 32 : index
      %parallel_loop3A_1083 = tpu.vector_load %arg7[%parallel_loop3A_1081, %parallel_loop3A_1082] {strides = array<i32>} : memref<512x128xf32, #tpu.memory_space<vmem>>, vector<16xf32>,
      %parallel_loop3A_1084 = arith.mulf %parallel_loop3A_1083, %get3A_25 : vector<16xf32>
      %parallel_loop3A_1085 = arith.addf %parallel_loop3A_1084, %parallel_loop3A_1078 : vector<16xf32>
      %parallel_loop3A_1086 = arith.constant 12 : i32
      %parallel_loop3A_1087 = arith.addi %parallel_loop3A_95, %parallel_loop3A_1086 : i32
      %parallel_loop3A_1088 = arith.index_cast %parallel_loop3A_1087 : i32 to index
      %parallel_loop3A_1089 = arith.constant 48 : index
      %parallel_loop3A_1090 = tpu.vector_load %arg7[%parallel_loop3A_1088, %parallel_loop3A_1089] {strides = array<i32>} : memref<512x128xf32, #tpu.memory_space<vmem>>, vector<16xf32>,
      %parallel_loop3A_1091 = arith.mulf %parallel_loop3A_1090, %get3A_27 : vector<16xf32>
      %parallel_loop3A_1092 = arith.addf %parallel_loop3A_1091, %parallel_loop3A_1085 : vector<16xf32>
      %parallel_loop3A_1093 = arith.constant 12 : i32
      %parallel_loop3A_1094 = arith.addi %parallel_loop3A_95, %parallel_loop3A_1093 : i32
      %parallel_loop3A_1095 = arith.index_cast %parallel_loop3A_1094 : i32 to index
      %parallel_loop3A_1096 = arith.constant 64 : index
      %parallel_loop3A_1097 = tpu.vector_load %arg7[%parallel_loop3A_1095, %parallel_loop3A_1096] {strides = array<i32>} : memref<512x128xf32, #tpu.memory_space<vmem>>, vector<16xf32>,
      %parallel_loop3A_1098 = arith.mulf %parallel_loop3A_1097, %get3A_29 : vector<16xf32>
      %parallel_loop3A_1099 = arith.addf %parallel_loop3A_1098, %parallel_loop3A_1092 : vector<16xf32>
      %parallel_loop3A_1100 = arith.constant 12 : i32
      %parallel_loop3A_1101 = arith.addi %parallel_loop3A_95, %parallel_loop3A_1100 : i32
      %parallel_loop3A_1102 = arith.index_cast %parallel_loop3A_1101 : i32 to index
      %parallel_loop3A_1103 = arith.constant 80 : index
      %parallel_loop3A_1104 = tpu.vector_load %arg7[%parallel_loop3A_1102, %parallel_loop3A_1103] {strides = array<i32>} : memref<512x128xf32, #tpu.memory_space<vmem>>, vector<16xf32>,
      %parallel_loop3A_1105 = arith.mulf %parallel_loop3A_1104, %get3A_31 : vector<16xf32>
      %parallel_loop3A_1106 = arith.addf %parallel_loop3A_1105, %parallel_loop3A_1099 : vector<16xf32>
      %parallel_loop3A_1107 = arith.constant 12 : i32
      %parallel_loop3A_1108 = arith.addi %parallel_loop3A_95, %parallel_loop3A_1107 : i32
      %parallel_loop3A_1109 = arith.index_cast %parallel_loop3A_1108 : i32 to index
      %parallel_loop3A_1110 = arith.constant 96 : index
      %parallel_loop3A_1111 = tpu.vector_load %arg7[%parallel_loop3A_1109, %parallel_loop3A_1110] {strides = array<i32>} : memref<512x128xf32, #tpu.memory_space<vmem>>, vector<16xf32>,
      %parallel_loop3A_1112 = arith.mulf %parallel_loop3A_1111, %get3A_33 : vector<16xf32>
      %parallel_loop3A_1113 = arith.addf %parallel_loop3A_1112, %parallel_loop3A_1106 : vector<16xf32>
      %parallel_loop3A_1114 = arith.constant 12 : i32
      %parallel_loop3A_1115 = arith.addi %parallel_loop3A_95, %parallel_loop3A_1114 : i32
      %parallel_loop3A_1116 = arith.index_cast %parallel_loop3A_1115 : i32 to index
      %parallel_loop3A_1117 = arith.constant 112 : index
      %parallel_loop3A_1118 = tpu.vector_load %arg7[%parallel_loop3A_1116, %parallel_loop3A_1117] {strides = array<i32>} : memref<512x128xf32, #tpu.memory_space<vmem>>, vector<16xf32>,
      %parallel_loop3A_1119 = arith.mulf %parallel_loop3A_1118, %get3A_35 : vector<16xf32>
      %parallel_loop3A_1120 = arith.addf %parallel_loop3A_1119, %parallel_loop3A_1113 : vector<16xf32>
      %parallel_loop3A_1121 = arith.constant 13 : i32
      %parallel_loop3A_1122 = arith.addi %parallel_loop3A_95, %parallel_loop3A_1121 : i32
      %parallel_loop3A_1123 = arith.index_cast %parallel_loop3A_1122 : i32 to index
      %parallel_loop3A_1124 = arith.constant 0 : index
      %parallel_loop3A_1125 = tpu.vector_load %arg7[%parallel_loop3A_1123, %parallel_loop3A_1124] {strides = array<i32>} : memref<512x128xf32, #tpu.memory_space<vmem>>, vector<16xf32>,
      %parallel_loop3A_1126 = arith.mulf %parallel_loop3A_1125, %get3A_21 : vector<16xf32>
      %parallel_loop3A_1127 = arith.constant 13 : i32
      %parallel_loop3A_1128 = arith.addi %parallel_loop3A_95, %parallel_loop3A_1127 : i32
      %parallel_loop3A_1129 = arith.index_cast %parallel_loop3A_1128 : i32 to index
      %parallel_loop3A_1130 = arith.constant 16 : index
      %parallel_loop3A_1131 = tpu.vector_load %arg7[%parallel_loop3A_1129, %parallel_loop3A_1130] {strides = array<i32>} : memref<512x128xf32, #tpu.memory_space<vmem>>, vector<16xf32>,
      %parallel_loop3A_1132 = arith.mulf %parallel_loop3A_1131, %get3A_23 : vector<16xf32>
      %parallel_loop3A_1133 = arith.addf %parallel_loop3A_1132, %parallel_loop3A_1126 : vector<16xf32>
      %parallel_loop3A_1134 = arith.constant 13 : i32
      %parallel_loop3A_1135 = arith.addi %parallel_loop3A_95, %parallel_loop3A_1134 : i32
      %parallel_loop3A_1136 = arith.index_cast %parallel_loop3A_1135 : i32 to index
      %parallel_loop3A_1137 = arith.constant 32 : index
      %parallel_loop3A_1138 = tpu.vector_load %arg7[%parallel_loop3A_1136, %parallel_loop3A_1137] {strides = array<i32>} : memref<512x128xf32, #tpu.memory_space<vmem>>, vector<16xf32>,
      %parallel_loop3A_1139 = arith.mulf %parallel_loop3A_1138, %get3A_25 : vector<16xf32>
      %parallel_loop3A_1140 = arith.addf %parallel_loop3A_1139, %parallel_loop3A_1133 : vector<16xf32>
      %parallel_loop3A_1141 = arith.constant 13 : i32
      %parallel_loop3A_1142 = arith.addi %parallel_loop3A_95, %parallel_loop3A_1141 : i32
      %parallel_loop3A_1143 = arith.index_cast %parallel_loop3A_1142 : i32 to index
      %parallel_loop3A_1144 = arith.constant 48 : index
      %parallel_loop3A_1145 = tpu.vector_load %arg7[%parallel_loop3A_1143, %parallel_loop3A_1144] {strides = array<i32>} : memref<512x128xf32, #tpu.memory_space<vmem>>, vector<16xf32>,
      %parallel_loop3A_1146 = arith.mulf %parallel_loop3A_1145, %get3A_27 : vector<16xf32>
      %parallel_loop3A_1147 = arith.addf %parallel_loop3A_1146, %parallel_loop3A_1140 : vector<16xf32>
      %parallel_loop3A_1148 = arith.constant 13 : i32
      %parallel_loop3A_1149 = arith.addi %parallel_loop3A_95, %parallel_loop3A_1148 : i32
      %parallel_loop3A_1150 = arith.index_cast %parallel_loop3A_1149 : i32 to index
      %parallel_loop3A_1151 = arith.constant 64 : index
      %parallel_loop3A_1152 = tpu.vector_load %arg7[%parallel_loop3A_1150, %parallel_loop3A_1151] {strides = array<i32>} : memref<512x128xf32, #tpu.memory_space<vmem>>, vector<16xf32>,
      %parallel_loop3A_1153 = arith.mulf %parallel_loop3A_1152, %get3A_29 : vector<16xf32>
      %parallel_loop3A_1154 = arith.addf %parallel_loop3A_1153, %parallel_loop3A_1147 : vector<16xf32>
      %parallel_loop3A_1155 = arith.constant 13 : i32
      %parallel_loop3A_1156 = arith.addi %parallel_loop3A_95, %parallel_loop3A_1155 : i32
      %parallel_loop3A_1157 = arith.index_cast %parallel_loop3A_1156 : i32 to index
      %parallel_loop3A_1158 = arith.constant 80 : index
      %parallel_loop3A_1159 = tpu.vector_load %arg7[%parallel_loop3A_1157, %parallel_loop3A_1158] {strides = array<i32>} : memref<512x128xf32, #tpu.memory_space<vmem>>, vector<16xf32>,
      %parallel_loop3A_1160 = arith.mulf %parallel_loop3A_1159, %get3A_31 : vector<16xf32>
      %parallel_loop3A_1161 = arith.addf %parallel_loop3A_1160, %parallel_loop3A_1154 : vector<16xf32>
      %parallel_loop3A_1162 = arith.constant 13 : i32
      %parallel_loop3A_1163 = arith.addi %parallel_loop3A_95, %parallel_loop3A_1162 : i32
      %parallel_loop3A_1164 = arith.index_cast %parallel_loop3A_1163 : i32 to index
      %parallel_loop3A_1165 = arith.constant 96 : index
      %parallel_loop3A_1166 = tpu.vector_load %arg7[%parallel_loop3A_1164, %parallel_loop3A_1165] {strides = array<i32>} : memref<512x128xf32, #tpu.memory_space<vmem>>, vector<16xf32>,
      %parallel_loop3A_1167 = arith.mulf %parallel_loop3A_1166, %get3A_33 : vector<16xf32>
      %parallel_loop3A_1168 = arith.addf %parallel_loop3A_1167, %parallel_loop3A_1161 : vector<16xf32>
      %parallel_loop3A_1169 = arith.constant 13 : i32
      %parallel_loop3A_1170 = arith.addi %parallel_loop3A_95, %parallel_loop3A_1169 : i32
      %parallel_loop3A_1171 = arith.index_cast %parallel_loop3A_1170 : i32 to index
      %parallel_loop3A_1172 = arith.constant 112 : index
      %parallel_loop3A_1173 = tpu.vector_load %arg7[%parallel_loop3A_1171, %parallel_loop3A_1172] {strides = array<i32>} : memref<512x128xf32, #tpu.memory_space<vmem>>, vector<16xf32>,
      %parallel_loop3A_1174 = arith.mulf %parallel_loop3A_1173, %get3A_35 : vector<16xf32>
      %parallel_loop3A_1175 = arith.addf %parallel_loop3A_1174, %parallel_loop3A_1168 : vector<16xf32>
      %parallel_loop3A_1176 = arith.constant 0 : i32
      %parallel_loop3A_1177 = vector.broadcast %parallel_loop3A_1176 : i32 to vector<16xi32>
      %parallel_loop3A_1178 = arith.cmpi slt, %xor3A_43, %parallel_loop3A_1177 : vector<16xi32>
      %parallel_loop3A_1179 = arith.constant 16 : i32
      %parallel_loop3A_1180 = vector.broadcast %parallel_loop3A_1179 : i32 to vector<16xi32>
      %parallel_loop3A_1181 = arith.addi %xor3A_43, %parallel_loop3A_1180 : vector<16xi32>
      %parallel_loop3A_1182 = arith.select %parallel_loop3A_1178, %parallel_loop3A_1181, %xor3A_43 : vector<16xi1>, vector<16xi32>
      %parallel_loop3A_1183 = vector.shape_cast %parallel_loop3A_1182 : vector<16xi32> to vector<16x1xi32>
      %parallel_loop3A_1184 = vector.shape_cast %parallel_loop3A_1183 : vector<16x1xi32> to vector<16xi32>
      %parallel_loop3A_1185 = tpu.dynamic_gather %parallel_loop3A_1120[%parallel_loop3A_1184] in [0] : vector<16xf32>, vector<16xi32> -> vector<16xf32>
      %parallel_loop3A_1186 = arith.addf %parallel_loop3A_1120, %parallel_loop3A_1185 : vector<16xf32>
      %parallel_loop3A_1187 = arith.constant 0 : i32
      %parallel_loop3A_1188 = vector.broadcast %parallel_loop3A_1187 : i32 to vector<16xi32>
      %parallel_loop3A_1189 = arith.cmpi slt, %xor3A_43, %parallel_loop3A_1188 : vector<16xi32>
      %parallel_loop3A_1190 = arith.constant 16 : i32
      %parallel_loop3A_1191 = vector.broadcast %parallel_loop3A_1190 : i32 to vector<16xi32>
      %parallel_loop3A_1192 = arith.addi %xor3A_43, %parallel_loop3A_1191 : vector<16xi32>
      %parallel_loop3A_1193 = arith.select %parallel_loop3A_1189, %parallel_loop3A_1192, %xor3A_43 : vector<16xi1>, vector<16xi32>
      %parallel_loop3A_1194 = vector.shape_cast %parallel_loop3A_1193 : vector<16xi32> to vector<16x1xi32>
      %parallel_loop3A_1195 = vector.shape_cast %parallel_loop3A_1194 : vector<16x1xi32> to vector<16xi32>
      %parallel_loop3A_1196 = tpu.dynamic_gather %parallel_loop3A_1175[%parallel_loop3A_1195] in [0] : vector<16xf32>, vector<16xi32> -> vector<16xf32>
      %parallel_loop3A_1197 = arith.addf %parallel_loop3A_1175, %parallel_loop3A_1196 : vector<16xf32>
      %parallel_loop3A_1198 = arith.select %lt3A_41, %parallel_loop3A_1186, %parallel_loop3A_1197 : vector<16xi1>, vector<16xf32>
      %parallel_loop3A_1199 = arith.constant 14 : i32
      %parallel_loop3A_1200 = arith.addi %parallel_loop3A_95, %parallel_loop3A_1199 : i32
      %parallel_loop3A_1201 = arith.index_cast %parallel_loop3A_1200 : i32 to index
      %parallel_loop3A_1202 = arith.constant 0 : index
      %parallel_loop3A_1203 = tpu.vector_load %arg7[%parallel_loop3A_1201, %parallel_loop3A_1202] {strides = array<i32>} : memref<512x128xf32, #tpu.memory_space<vmem>>, vector<16xf32>,
      %parallel_loop3A_1204 = arith.mulf %parallel_loop3A_1203, %get3A_21 : vector<16xf32>
      %parallel_loop3A_1205 = arith.constant 14 : i32
      %parallel_loop3A_1206 = arith.addi %parallel_loop3A_95, %parallel_loop3A_1205 : i32
      %parallel_loop3A_1207 = arith.index_cast %parallel_loop3A_1206 : i32 to index
      %parallel_loop3A_1208 = arith.constant 16 : index
      %parallel_loop3A_1209 = tpu.vector_load %arg7[%parallel_loop3A_1207, %parallel_loop3A_1208] {strides = array<i32>} : memref<512x128xf32, #tpu.memory_space<vmem>>, vector<16xf32>,
      %parallel_loop3A_1210 = arith.mulf %parallel_loop3A_1209, %get3A_23 : vector<16xf32>
      %parallel_loop3A_1211 = arith.addf %parallel_loop3A_1210, %parallel_loop3A_1204 : vector<16xf32>
      %parallel_loop3A_1212 = arith.constant 14 : i32
      %parallel_loop3A_1213 = arith.addi %parallel_loop3A_95, %parallel_loop3A_1212 : i32
      %parallel_loop3A_1214 = arith.index_cast %parallel_loop3A_1213 : i32 to index
      %parallel_loop3A_1215 = arith.constant 32 : index
      %parallel_loop3A_1216 = tpu.vector_load %arg7[%parallel_loop3A_1214, %parallel_loop3A_1215] {strides = array<i32>} : memref<512x128xf32, #tpu.memory_space<vmem>>, vector<16xf32>,
      %parallel_loop3A_1217 = arith.mulf %parallel_loop3A_1216, %get3A_25 : vector<16xf32>
      %parallel_loop3A_1218 = arith.addf %parallel_loop3A_1217, %parallel_loop3A_1211 : vector<16xf32>
      %parallel_loop3A_1219 = arith.constant 14 : i32
      %parallel_loop3A_1220 = arith.addi %parallel_loop3A_95, %parallel_loop3A_1219 : i32
      %parallel_loop3A_1221 = arith.index_cast %parallel_loop3A_1220 : i32 to index
      %parallel_loop3A_1222 = arith.constant 48 : index
      %parallel_loop3A_1223 = tpu.vector_load %arg7[%parallel_loop3A_1221, %parallel_loop3A_1222] {strides = array<i32>} : memref<512x128xf32, #tpu.memory_space<vmem>>, vector<16xf32>,
      %parallel_loop3A_1224 = arith.mulf %parallel_loop3A_1223, %get3A_27 : vector<16xf32>
      %parallel_loop3A_1225 = arith.addf %parallel_loop3A_1224, %parallel_loop3A_1218 : vector<16xf32>
      %parallel_loop3A_1226 = arith.constant 14 : i32
      %parallel_loop3A_1227 = arith.addi %parallel_loop3A_95, %parallel_loop3A_1226 : i32
      %parallel_loop3A_1228 = arith.index_cast %parallel_loop3A_1227 : i32 to index
      %parallel_loop3A_1229 = arith.constant 64 : index
      %parallel_loop3A_1230 = tpu.vector_load %arg7[%parallel_loop3A_1228, %parallel_loop3A_1229] {strides = array<i32>} : memref<512x128xf32, #tpu.memory_space<vmem>>, vector<16xf32>,
      %parallel_loop3A_1231 = arith.mulf %parallel_loop3A_1230, %get3A_29 : vector<16xf32>
      %parallel_loop3A_1232 = arith.addf %parallel_loop3A_1231, %parallel_loop3A_1225 : vector<16xf32>
      %parallel_loop3A_1233 = arith.constant 14 : i32
      %parallel_loop3A_1234 = arith.addi %parallel_loop3A_95, %parallel_loop3A_1233 : i32
      %parallel_loop3A_1235 = arith.index_cast %parallel_loop3A_1234 : i32 to index
      %parallel_loop3A_1236 = arith.constant 80 : index
      %parallel_loop3A_1237 = tpu.vector_load %arg7[%parallel_loop3A_1235, %parallel_loop3A_1236] {strides = array<i32>} : memref<512x128xf32, #tpu.memory_space<vmem>>, vector<16xf32>,
      %parallel_loop3A_1238 = arith.mulf %parallel_loop3A_1237, %get3A_31 : vector<16xf32>
      %parallel_loop3A_1239 = arith.addf %parallel_loop3A_1238, %parallel_loop3A_1232 : vector<16xf32>
      %parallel_loop3A_1240 = arith.constant 14 : i32
      %parallel_loop3A_1241 = arith.addi %parallel_loop3A_95, %parallel_loop3A_1240 : i32
      %parallel_loop3A_1242 = arith.index_cast %parallel_loop3A_1241 : i32 to index
      %parallel_loop3A_1243 = arith.constant 96 : index
      %parallel_loop3A_1244 = tpu.vector_load %arg7[%parallel_loop3A_1242, %parallel_loop3A_1243] {strides = array<i32>} : memref<512x128xf32, #tpu.memory_space<vmem>>, vector<16xf32>,
      %parallel_loop3A_1245 = arith.mulf %parallel_loop3A_1244, %get3A_33 : vector<16xf32>
      %parallel_loop3A_1246 = arith.addf %parallel_loop3A_1245, %parallel_loop3A_1239 : vector<16xf32>
      %parallel_loop3A_1247 = arith.constant 14 : i32
      %parallel_loop3A_1248 = arith.addi %parallel_loop3A_95, %parallel_loop3A_1247 : i32
      %parallel_loop3A_1249 = arith.index_cast %parallel_loop3A_1248 : i32 to index
      %parallel_loop3A_1250 = arith.constant 112 : index
      %parallel_loop3A_1251 = tpu.vector_load %arg7[%parallel_loop3A_1249, %parallel_loop3A_1250] {strides = array<i32>} : memref<512x128xf32, #tpu.memory_space<vmem>>, vector<16xf32>,
      %parallel_loop3A_1252 = arith.mulf %parallel_loop3A_1251, %get3A_35 : vector<16xf32>
      %parallel_loop3A_1253 = arith.addf %parallel_loop3A_1252, %parallel_loop3A_1246 : vector<16xf32>
      %parallel_loop3A_1254 = arith.constant 15 : i32
      %parallel_loop3A_1255 = arith.addi %parallel_loop3A_95, %parallel_loop3A_1254 : i32
      %parallel_loop3A_1256 = arith.index_cast %parallel_loop3A_1255 : i32 to index
      %parallel_loop3A_1257 = arith.constant 0 : index
      %parallel_loop3A_1258 = tpu.vector_load %arg7[%parallel_loop3A_1256, %parallel_loop3A_1257] {strides = array<i32>} : memref<512x128xf32, #tpu.memory_space<vmem>>, vector<16xf32>,
      %parallel_loop3A_1259 = arith.mulf %parallel_loop3A_1258, %get3A_21 : vector<16xf32>
      %parallel_loop3A_1260 = arith.constant 15 : i32
      %parallel_loop3A_1261 = arith.addi %parallel_loop3A_95, %parallel_loop3A_1260 : i32
      %parallel_loop3A_1262 = arith.index_cast %parallel_loop3A_1261 : i32 to index
      %parallel_loop3A_1263 = arith.constant 16 : index
      %parallel_loop3A_1264 = tpu.vector_load %arg7[%parallel_loop3A_1262, %parallel_loop3A_1263] {strides = array<i32>} : memref<512x128xf32, #tpu.memory_space<vmem>>, vector<16xf32>,
      %parallel_loop3A_1265 = arith.mulf %parallel_loop3A_1264, %get3A_23 : vector<16xf32>
      %parallel_loop3A_1266 = arith.addf %parallel_loop3A_1265, %parallel_loop3A_1259 : vector<16xf32>
      %parallel_loop3A_1267 = arith.constant 15 : i32
      %parallel_loop3A_1268 = arith.addi %parallel_loop3A_95, %parallel_loop3A_1267 : i32
      %parallel_loop3A_1269 = arith.index_cast %parallel_loop3A_1268 : i32 to index
      %parallel_loop3A_1270 = arith.constant 32 : index
      %parallel_loop3A_1271 = tpu.vector_load %arg7[%parallel_loop3A_1269, %parallel_loop3A_1270] {strides = array<i32>} : memref<512x128xf32, #tpu.memory_space<vmem>>, vector<16xf32>,
      %parallel_loop3A_1272 = arith.mulf %parallel_loop3A_1271, %get3A_25 : vector<16xf32>
      %parallel_loop3A_1273 = arith.addf %parallel_loop3A_1272, %parallel_loop3A_1266 : vector<16xf32>
      %parallel_loop3A_1274 = arith.constant 15 : i32
      %parallel_loop3A_1275 = arith.addi %parallel_loop3A_95, %parallel_loop3A_1274 : i32
      %parallel_loop3A_1276 = arith.index_cast %parallel_loop3A_1275 : i32 to index
      %parallel_loop3A_1277 = arith.constant 48 : index
      %parallel_loop3A_1278 = tpu.vector_load %arg7[%parallel_loop3A_1276, %parallel_loop3A_1277] {strides = array<i32>} : memref<512x128xf32, #tpu.memory_space<vmem>>, vector<16xf32>,
      %parallel_loop3A_1279 = arith.mulf %parallel_loop3A_1278, %get3A_27 : vector<16xf32>
      %parallel_loop3A_1280 = arith.addf %parallel_loop3A_1279, %parallel_loop3A_1273 : vector<16xf32>
      %parallel_loop3A_1281 = arith.constant 15 : i32
      %parallel_loop3A_1282 = arith.addi %parallel_loop3A_95, %parallel_loop3A_1281 : i32
      %parallel_loop3A_1283 = arith.index_cast %parallel_loop3A_1282 : i32 to index
      %parallel_loop3A_1284 = arith.constant 64 : index
      %parallel_loop3A_1285 = tpu.vector_load %arg7[%parallel_loop3A_1283, %parallel_loop3A_1284] {strides = array<i32>} : memref<512x128xf32, #tpu.memory_space<vmem>>, vector<16xf32>,
      %parallel_loop3A_1286 = arith.mulf %parallel_loop3A_1285, %get3A_29 : vector<16xf32>
      %parallel_loop3A_1287 = arith.addf %parallel_loop3A_1286, %parallel_loop3A_1280 : vector<16xf32>
      %parallel_loop3A_1288 = arith.constant 15 : i32
      %parallel_loop3A_1289 = arith.addi %parallel_loop3A_95, %parallel_loop3A_1288 : i32
      %parallel_loop3A_1290 = arith.index_cast %parallel_loop3A_1289 : i32 to index
      %parallel_loop3A_1291 = arith.constant 80 : index
      %parallel_loop3A_1292 = tpu.vector_load %arg7[%parallel_loop3A_1290, %parallel_loop3A_1291] {strides = array<i32>} : memref<512x128xf32, #tpu.memory_space<vmem>>, vector<16xf32>,
      %parallel_loop3A_1293 = arith.mulf %parallel_loop3A_1292, %get3A_31 : vector<16xf32>
      %parallel_loop3A_1294 = arith.addf %parallel_loop3A_1293, %parallel_loop3A_1287 : vector<16xf32>
      %parallel_loop3A_1295 = arith.constant 15 : i32
      %parallel_loop3A_1296 = arith.addi %parallel_loop3A_95, %parallel_loop3A_1295 : i32
      %parallel_loop3A_1297 = arith.index_cast %parallel_loop3A_1296 : i32 to index
      %parallel_loop3A_1298 = arith.constant 96 : index
      %parallel_loop3A_1299 = tpu.vector_load %arg7[%parallel_loop3A_1297, %parallel_loop3A_1298] {strides = array<i32>} : memref<512x128xf32, #tpu.memory_space<vmem>>, vector<16xf32>,
      %parallel_loop3A_1300 = arith.mulf %parallel_loop3A_1299, %get3A_33 : vector<16xf32>
      %parallel_loop3A_1301 = arith.addf %parallel_loop3A_1300, %parallel_loop3A_1294 : vector<16xf32>
      %parallel_loop3A_1302 = arith.constant 15 : i32
      %parallel_loop3A_1303 = arith.addi %parallel_loop3A_95, %parallel_loop3A_1302 : i32
      %parallel_loop3A_1304 = arith.index_cast %parallel_loop3A_1303 : i32 to index
      %parallel_loop3A_1305 = arith.constant 112 : index
      %parallel_loop3A_1306 = tpu.vector_load %arg7[%parallel_loop3A_1304, %parallel_loop3A_1305] {strides = array<i32>} : memref<512x128xf32, #tpu.memory_space<vmem>>, vector<16xf32>,
      %parallel_loop3A_1307 = arith.mulf %parallel_loop3A_1306, %get3A_35 : vector<16xf32>
      %parallel_loop3A_1308 = arith.addf %parallel_loop3A_1307, %parallel_loop3A_1301 : vector<16xf32>
      %parallel_loop3A_1309 = arith.constant 0 : i32
      %parallel_loop3A_1310 = vector.broadcast %parallel_loop3A_1309 : i32 to vector<16xi32>
      %parallel_loop3A_1311 = arith.cmpi slt, %xor3A_43, %parallel_loop3A_1310 : vector<16xi32>
      %parallel_loop3A_1312 = arith.constant 16 : i32
      %parallel_loop3A_1313 = vector.broadcast %parallel_loop3A_1312 : i32 to vector<16xi32>
      %parallel_loop3A_1314 = arith.addi %xor3A_43, %parallel_loop3A_1313 : vector<16xi32>
      %parallel_loop3A_1315 = arith.select %parallel_loop3A_1311, %parallel_loop3A_1314, %xor3A_43 : vector<16xi1>, vector<16xi32>
      %parallel_loop3A_1316 = vector.shape_cast %parallel_loop3A_1315 : vector<16xi32> to vector<16x1xi32>
      %parallel_loop3A_1317 = vector.shape_cast %parallel_loop3A_1316 : vector<16x1xi32> to vector<16xi32>
      %parallel_loop3A_1318 = tpu.dynamic_gather %parallel_loop3A_1253[%parallel_loop3A_1317] in [0] : vector<16xf32>, vector<16xi32> -> vector<16xf32>
      %parallel_loop3A_1319 = arith.addf %parallel_loop3A_1253, %parallel_loop3A_1318 : vector<16xf32>
      %parallel_loop3A_1320 = arith.constant 0 : i32
      %parallel_loop3A_1321 = vector.broadcast %parallel_loop3A_1320 : i32 to vector<16xi32>
      %parallel_loop3A_1322 = arith.cmpi slt, %xor3A_43, %parallel_loop3A_1321 : vector<16xi32>
      %parallel_loop3A_1323 = arith.constant 16 : i32
      %parallel_loop3A_1324 = vector.broadcast %parallel_loop3A_1323 : i32 to vector<16xi32>
      %parallel_loop3A_1325 = arith.addi %xor3A_43, %parallel_loop3A_1324 : vector<16xi32>
      %parallel_loop3A_1326 = arith.select %parallel_loop3A_1322, %parallel_loop3A_1325, %xor3A_43 : vector<16xi1>, vector<16xi32>
      %parallel_loop3A_1327 = vector.shape_cast %parallel_loop3A_1326 : vector<16xi32> to vector<16x1xi32>
      %parallel_loop3A_1328 = vector.shape_cast %parallel_loop3A_1327 : vector<16x1xi32> to vector<16xi32>
      %parallel_loop3A_1329 = tpu.dynamic_gather %parallel_loop3A_1308[%parallel_loop3A_1328] in [0] : vector<16xf32>, vector<16xi32> -> vector<16xf32>
      %parallel_loop3A_1330 = arith.addf %parallel_loop3A_1308, %parallel_loop3A_1329 : vector<16xf32>
      %parallel_loop3A_1331 = arith.select %lt3A_41, %parallel_loop3A_1319, %parallel_loop3A_1330 : vector<16xi1>, vector<16xf32>
      %parallel_loop3A_1332 = arith.constant 0 : i32
      %parallel_loop3A_1333 = vector.broadcast %parallel_loop3A_1332 : i32 to vector<16xi32>
      %parallel_loop3A_1334 = arith.cmpi slt, %xor3A_46, %parallel_loop3A_1333 : vector<16xi32>
      %parallel_loop3A_1335 = arith.constant 16 : i32
      %parallel_loop3A_1336 = vector.broadcast %parallel_loop3A_1335 : i32 to vector<16xi32>
      %parallel_loop3A_1337 = arith.addi %xor3A_46, %parallel_loop3A_1336 : vector<16xi32>
      %parallel_loop3A_1338 = arith.select %parallel_loop3A_1334, %parallel_loop3A_1337, %xor3A_46 : vector<16xi1>, vector<16xi32>
      %parallel_loop3A_1339 = vector.shape_cast %parallel_loop3A_1338 : vector<16xi32> to vector<16x1xi32>
      %parallel_loop3A_1340 = vector.shape_cast %parallel_loop3A_1339 : vector<16x1xi32> to vector<16xi32>
      %parallel_loop3A_1341 = tpu.dynamic_gather %parallel_loop3A_1198[%parallel_loop3A_1340] in [0] : vector<16xf32>, vector<16xi32> -> vector<16xf32>
      %parallel_loop3A_1342 = arith.addf %parallel_loop3A_1198, %parallel_loop3A_1341 : vector<16xf32>
      %parallel_loop3A_1343 = arith.constant 0 : i32
      %parallel_loop3A_1344 = vector.broadcast %parallel_loop3A_1343 : i32 to vector<16xi32>
      %parallel_loop3A_1345 = arith.cmpi slt, %xor3A_46, %parallel_loop3A_1344 : vector<16xi32>
      %parallel_loop3A_1346 = arith.constant 16 : i32
      %parallel_loop3A_1347 = vector.broadcast %parallel_loop3A_1346 : i32 to vector<16xi32>
      %parallel_loop3A_1348 = arith.addi %xor3A_46, %parallel_loop3A_1347 : vector<16xi32>
      %parallel_loop3A_1349 = arith.select %parallel_loop3A_1345, %parallel_loop3A_1348, %xor3A_46 : vector<16xi1>, vector<16xi32>
      %parallel_loop3A_1350 = vector.shape_cast %parallel_loop3A_1349 : vector<16xi32> to vector<16x1xi32>
      %parallel_loop3A_1351 = vector.shape_cast %parallel_loop3A_1350 : vector<16x1xi32> to vector<16xi32>
      %parallel_loop3A_1352 = tpu.dynamic_gather %parallel_loop3A_1331[%parallel_loop3A_1351] in [0] : vector<16xf32>, vector<16xi32> -> vector<16xf32>
      %parallel_loop3A_1353 = arith.addf %parallel_loop3A_1331, %parallel_loop3A_1352 : vector<16xf32>
      %parallel_loop3A_1354 = arith.constant 0 : i32
      %parallel_loop3A_1355 = vector.broadcast %parallel_loop3A_1354 : i32 to vector<16xi32>
      %parallel_loop3A_1356 = arith.cmpi slt, %or3A, %parallel_loop3A_1355 : vector<16xi32>
      %parallel_loop3A_1357 = arith.constant 16 : i32
      %parallel_loop3A_1358 = vector.broadcast %parallel_loop3A_1357 : i32 to vector<16xi32>
      %parallel_loop3A_1359 = arith.addi %or3A, %parallel_loop3A_1358 : vector<16xi32>
      %parallel_loop3A_1360 = arith.select %parallel_loop3A_1356, %parallel_loop3A_1359, %or3A : vector<16xi1>, vector<16xi32>
      %parallel_loop3A_1361 = vector.shape_cast %parallel_loop3A_1360 : vector<16xi32> to vector<16x1xi32>
      %parallel_loop3A_1362 = vector.shape_cast %parallel_loop3A_1361 : vector<16x1xi32> to vector<16xi32>
      %parallel_loop3A_1363 = tpu.dynamic_gather %parallel_loop3A_1342[%parallel_loop3A_1362] in [0] : vector<16xf32>, vector<16xi32> -> vector<16xf32>
      %parallel_loop3A_1364 = arith.constant 0 : i32
      %parallel_loop3A_1365 = vector.broadcast %parallel_loop3A_1364 : i32 to vector<16xi32>
      %parallel_loop3A_1366 = arith.cmpi slt, %or3A, %parallel_loop3A_1365 : vector<16xi32>
      %parallel_loop3A_1367 = arith.constant 16 : i32
      %parallel_loop3A_1368 = vector.broadcast %parallel_loop3A_1367 : i32 to vector<16xi32>
      %parallel_loop3A_1369 = arith.addi %or3A, %parallel_loop3A_1368 : vector<16xi32>
      %parallel_loop3A_1370 = arith.select %parallel_loop3A_1366, %parallel_loop3A_1369, %or3A : vector<16xi1>, vector<16xi32>
      %parallel_loop3A_1371 = vector.shape_cast %parallel_loop3A_1370 : vector<16xi32> to vector<16x1xi32>
      %parallel_loop3A_1372 = vector.shape_cast %parallel_loop3A_1371 : vector<16x1xi32> to vector<16xi32>
      %parallel_loop3A_1373 = tpu.dynamic_gather %parallel_loop3A_1353[%parallel_loop3A_1372] in [0] : vector<16xf32>, vector<16xi32> -> vector<16xf32>
      %parallel_loop3A_1374 = arith.select %lt3A_41, %parallel_loop3A_1363, %parallel_loop3A_1373 : vector<16xi1>, vector<16xf32>
      %parallel_loop3A_1375 = arith.constant 0 : i32
      %parallel_loop3A_1376 = vector.broadcast %parallel_loop3A_1375 : i32 to vector<16xi32>
      %parallel_loop3A_1377 = arith.cmpi slt, %xor3A_49, %parallel_loop3A_1376 : vector<16xi32>
      %parallel_loop3A_1378 = arith.constant 16 : i32
      %parallel_loop3A_1379 = vector.broadcast %parallel_loop3A_1378 : i32 to vector<16xi32>
      %parallel_loop3A_1380 = arith.addi %xor3A_49, %parallel_loop3A_1379 : vector<16xi32>
      %parallel_loop3A_1381 = arith.select %parallel_loop3A_1377, %parallel_loop3A_1380, %xor3A_49 : vector<16xi1>, vector<16xi32>
      %parallel_loop3A_1382 = vector.shape_cast %parallel_loop3A_1381 : vector<16xi32> to vector<16x1xi32>
      %parallel_loop3A_1383 = vector.shape_cast %parallel_loop3A_1382 : vector<16x1xi32> to vector<16xi32>
      %parallel_loop3A_1384 = tpu.dynamic_gather %parallel_loop3A_1065[%parallel_loop3A_1383] in [0] : vector<16xf32>, vector<16xi32> -> vector<16xf32>
      %parallel_loop3A_1385 = arith.addf %parallel_loop3A_1065, %parallel_loop3A_1384 : vector<16xf32>
      %parallel_loop3A_1386 = arith.constant 0 : i32
      %parallel_loop3A_1387 = vector.broadcast %parallel_loop3A_1386 : i32 to vector<16xi32>
      %parallel_loop3A_1388 = arith.cmpi slt, %xor3A_49, %parallel_loop3A_1387 : vector<16xi32>
      %parallel_loop3A_1389 = arith.constant 16 : i32
      %parallel_loop3A_1390 = vector.broadcast %parallel_loop3A_1389 : i32 to vector<16xi32>
      %parallel_loop3A_1391 = arith.addi %xor3A_49, %parallel_loop3A_1390 : vector<16xi32>
      %parallel_loop3A_1392 = arith.select %parallel_loop3A_1388, %parallel_loop3A_1391, %xor3A_49 : vector<16xi1>, vector<16xi32>
      %parallel_loop3A_1393 = vector.shape_cast %parallel_loop3A_1392 : vector<16xi32> to vector<16x1xi32>
      %parallel_loop3A_1394 = vector.shape_cast %parallel_loop3A_1393 : vector<16x1xi32> to vector<16xi32>
      %parallel_loop3A_1395 = tpu.dynamic_gather %parallel_loop3A_1374[%parallel_loop3A_1394] in [0] : vector<16xf32>, vector<16xi32> -> vector<16xf32>
      %parallel_loop3A_1396 = arith.addf %parallel_loop3A_1374, %parallel_loop3A_1395 : vector<16xf32>
      %parallel_loop3A_1397 = arith.constant 0 : i32
      %parallel_loop3A_1398 = vector.broadcast %parallel_loop3A_1397 : i32 to vector<16xi32>
      %parallel_loop3A_1399 = arith.cmpi slt, %or3A_71, %parallel_loop3A_1398 : vector<16xi32>
      %parallel_loop3A_1400 = arith.constant 16 : i32
      %parallel_loop3A_1401 = vector.broadcast %parallel_loop3A_1400 : i32 to vector<16xi32>
      %parallel_loop3A_1402 = arith.addi %or3A_71, %parallel_loop3A_1401 : vector<16xi32>
      %parallel_loop3A_1403 = arith.select %parallel_loop3A_1399, %parallel_loop3A_1402, %or3A_71 : vector<16xi1>, vector<16xi32>
      %parallel_loop3A_1404 = vector.shape_cast %parallel_loop3A_1403 : vector<16xi32> to vector<16x1xi32>
      %parallel_loop3A_1405 = vector.shape_cast %parallel_loop3A_1404 : vector<16x1xi32> to vector<16xi32>
      %parallel_loop3A_1406 = tpu.dynamic_gather %parallel_loop3A_1385[%parallel_loop3A_1405] in [0] : vector<16xf32>, vector<16xi32> -> vector<16xf32>
      %parallel_loop3A_1407 = arith.constant 0 : i32
      %parallel_loop3A_1408 = vector.broadcast %parallel_loop3A_1407 : i32 to vector<16xi32>
      %parallel_loop3A_1409 = arith.cmpi slt, %or3A_71, %parallel_loop3A_1408 : vector<16xi32>
      %parallel_loop3A_1410 = arith.constant 16 : i32
      %parallel_loop3A_1411 = vector.broadcast %parallel_loop3A_1410 : i32 to vector<16xi32>
      %parallel_loop3A_1412 = arith.addi %or3A_71, %parallel_loop3A_1411 : vector<16xi32>
      %parallel_loop3A_1413 = arith.select %parallel_loop3A_1409, %parallel_loop3A_1412, %or3A_71 : vector<16xi1>, vector<16xi32>
      %parallel_loop3A_1414 = vector.shape_cast %parallel_loop3A_1413 : vector<16xi32> to vector<16x1xi32>
      %parallel_loop3A_1415 = vector.shape_cast %parallel_loop3A_1414 : vector<16x1xi32> to vector<16xi32>
      %parallel_loop3A_1416 = tpu.dynamic_gather %parallel_loop3A_1396[%parallel_loop3A_1415] in [0] : vector<16xf32>, vector<16xi32> -> vector<16xf32>
      %parallel_loop3A_1417 = arith.select %lt3A_41, %parallel_loop3A_1406, %parallel_loop3A_1416 : vector<16xi1>, vector<16xf32>
      %parallel_loop3A_1418 = arith.constant 0 : i32
      %parallel_loop3A_1419 = vector.broadcast %parallel_loop3A_1418 : i32 to vector<16xi32>
      %parallel_loop3A_1420 = arith.cmpi slt, %xor3A_52, %parallel_loop3A_1419 : vector<16xi32>
      %parallel_loop3A_1421 = arith.constant 16 : i32
      %parallel_loop3A_1422 = vector.broadcast %parallel_loop3A_1421 : i32 to vector<16xi32>
      %parallel_loop3A_1423 = arith.addi %xor3A_52, %parallel_loop3A_1422 : vector<16xi32>
      %parallel_loop3A_1424 = arith.select %parallel_loop3A_1420, %parallel_loop3A_1423, %xor3A_52 : vector<16xi1>, vector<16xi32>
      %parallel_loop3A_1425 = vector.shape_cast %parallel_loop3A_1424 : vector<16xi32> to vector<16x1xi32>
      %parallel_loop3A_1426 = vector.shape_cast %parallel_loop3A_1425 : vector<16x1xi32> to vector<16xi32>
      %parallel_loop3A_1427 = tpu.dynamic_gather %parallel_loop3A_756[%parallel_loop3A_1426] in [0] : vector<16xf32>, vector<16xi32> -> vector<16xf32>
      %parallel_loop3A_1428 = arith.addf %parallel_loop3A_756, %parallel_loop3A_1427 : vector<16xf32>
      %parallel_loop3A_1429 = arith.constant 0 : i32
      %parallel_loop3A_1430 = vector.broadcast %parallel_loop3A_1429 : i32 to vector<16xi32>
      %parallel_loop3A_1431 = arith.cmpi slt, %xor3A_52, %parallel_loop3A_1430 : vector<16xi32>
      %parallel_loop3A_1432 = arith.constant 16 : i32
      %parallel_loop3A_1433 = vector.broadcast %parallel_loop3A_1432 : i32 to vector<16xi32>
      %parallel_loop3A_1434 = arith.addi %xor3A_52, %parallel_loop3A_1433 : vector<16xi32>
      %parallel_loop3A_1435 = arith.select %parallel_loop3A_1431, %parallel_loop3A_1434, %xor3A_52 : vector<16xi1>, vector<16xi32>
      %parallel_loop3A_1436 = vector.shape_cast %parallel_loop3A_1435 : vector<16xi32> to vector<16x1xi32>
      %parallel_loop3A_1437 = vector.shape_cast %parallel_loop3A_1436 : vector<16x1xi32> to vector<16xi32>
      %parallel_loop3A_1438 = tpu.dynamic_gather %parallel_loop3A_1417[%parallel_loop3A_1437] in [0] : vector<16xf32>, vector<16xi32> -> vector<16xf32>
      %parallel_loop3A_1439 = arith.addf %parallel_loop3A_1417, %parallel_loop3A_1438 : vector<16xf32>
      %parallel_loop3A_1440 = arith.constant 0 : i32
      %parallel_loop3A_1441 = vector.broadcast %parallel_loop3A_1440 : i32 to vector<16xi32>
      %parallel_loop3A_1442 = arith.cmpi slt, %shift_left3A_74, %parallel_loop3A_1441 : vector<16xi32>
      %parallel_loop3A_1443 = arith.constant 16 : i32
      %parallel_loop3A_1444 = vector.broadcast %parallel_loop3A_1443 : i32 to vector<16xi32>
      %parallel_loop3A_1445 = arith.addi %shift_left3A_74, %parallel_loop3A_1444 : vector<16xi32>
      %parallel_loop3A_1446 = arith.select %parallel_loop3A_1442, %parallel_loop3A_1445, %shift_left3A_74 : vector<16xi1>, vector<16xi32>
      %parallel_loop3A_1447 = vector.shape_cast %parallel_loop3A_1446 : vector<16xi32> to vector<16x1xi32>
      %parallel_loop3A_1448 = vector.shape_cast %parallel_loop3A_1447 : vector<16x1xi32> to vector<16xi32>
      %parallel_loop3A_1449 = tpu.dynamic_gather %parallel_loop3A_1428[%parallel_loop3A_1448] in [0] : vector<16xf32>, vector<16xi32> -> vector<16xf32>
      %parallel_loop3A_1450 = arith.constant 0 : i32
      %parallel_loop3A_1451 = vector.broadcast %parallel_loop3A_1450 : i32 to vector<16xi32>
      %parallel_loop3A_1452 = arith.cmpi slt, %shift_left3A_74, %parallel_loop3A_1451 : vector<16xi32>
      %parallel_loop3A_1453 = arith.constant 16 : i32
      %parallel_loop3A_1454 = vector.broadcast %parallel_loop3A_1453 : i32 to vector<16xi32>
      %parallel_loop3A_1455 = arith.addi %shift_left3A_74, %parallel_loop3A_1454 : vector<16xi32>
      %parallel_loop3A_1456 = arith.select %parallel_loop3A_1452, %parallel_loop3A_1455, %shift_left3A_74 : vector<16xi1>, vector<16xi32>
      %parallel_loop3A_1457 = vector.shape_cast %parallel_loop3A_1456 : vector<16xi32> to vector<16x1xi32>
      %parallel_loop3A_1458 = vector.shape_cast %parallel_loop3A_1457 : vector<16x1xi32> to vector<16xi32>
      %parallel_loop3A_1459 = tpu.dynamic_gather %parallel_loop3A_1439[%parallel_loop3A_1458] in [0] : vector<16xf32>, vector<16xi32> -> vector<16xf32>
      %parallel_loop3A_1460 = arith.select %lt3A_41, %parallel_loop3A_1449, %parallel_loop3A_1459 : vector<16xi1>, vector<16xf32>
      %parallel_loop3A_1461 = arith.addf %parallel_loop3A_1460, %gather3A : vector<16xf32>
      %parallel_loop3A_1462 = arith.constant 0.000000e+00 : f32
      %parallel_loop3A_1463 = vector.broadcast %parallel_loop3A_1462 : f32 to vector<16xf32>
      %parallel_loop3A_1464 = arith.subf %parallel_loop3A_1463, %parallel_loop3A_1461 : vector<16xf32>
      %parallel_loop3A_1465 = math.exp %parallel_loop3A_1464 : vector<16xf32>
      %parallel_loop3A_1466 = arith.constant 1.000000e+00 : f32
      %parallel_loop3A_1467 = vector.broadcast %parallel_loop3A_1466 : f32 to vector<16xf32>
      %parallel_loop3A_1468 = arith.addf %parallel_loop3A_1467, %parallel_loop3A_1465 : vector<16xf32>
      %parallel_loop3A_1469 = arith.constant 1.000000e+00 : f32
      %parallel_loop3A_1470 = vector.broadcast %parallel_loop3A_1469 : f32 to vector<16xf32>
      %parallel_loop3A_1471 = arith.divf %parallel_loop3A_1470, %parallel_loop3A_1468 : vector<16xf32>
      %parallel_loop3A_1472 = arith.index_cast %parallel_loop3A_95 : i32 to index
      %parallel_loop3A_1473 = tpu.vector_load %arg9[%parallel_loop3A_1472] {strides = array<i32>} : memref<512xf32, #tpu.memory_space<vmem>>, vector<16xf32>,
      tpu.vector_store %arg9[%parallel_loop3A_1472], %parallel_loop3A_1471 {strides = array<i32>} : memref<512xf32, #tpu.memory_space<vmem>>, vector<16xf32>,
    } {sc.loop_unroll_factor = 2 : i64, sc.parallel_access}
    "tpu.region"() ({
      %run_scoped3A = tpu.sem_alloc : memref<!tpu.dma_semaphore, #tpu.memory_space<semaphore_mem>>
      %dma_start3A_93 = tpu.memref_slice %arg5[%mul3A_2] : memref<16384xf32, #tpu.memory_space<hbm>> -> memref<512xf32, #tpu.memory_space<hbm>>
      %dma_start3A_94 = tpu.memref_slice %arg5[%mul3A_2] : memref<16384xf32, #tpu.memory_space<hbm>> -> memref<512xf32, #tpu.memory_space<hbm>>
      tpu.enqueue_dma source(%arg9 : memref<512xf32, #tpu.memory_space<vmem>>) target(%dma_start3A_94 : memref<512xf32, #tpu.memory_space<hbm>>) target_semaphore(%run_scoped3A : memref<!tpu.dma_semaphore, #tpu.memory_space<semaphore_mem>>)
      %dma_wait3A_95 = tpu.memref_slice %arg5[%mul3A_2] : memref<16384xf32, #tpu.memory_space<hbm>> -> memref<512xf32, #tpu.memory_space<hbm>>
      %dma_wait3A_96 = tpu.memref_slice %arg5[%mul3A_2] : memref<16384xf32, #tpu.memory_space<hbm>> -> memref<512xf32, #tpu.memory_space<hbm>>
      tpu.wait_dma2 semaphore(%run_scoped3A : memref<!tpu.dma_semaphore, #tpu.memory_space<semaphore_mem>>) src(%arg9 : memref<512xf32, #tpu.memory_space<vmem>>) dst(%dma_wait3A_96 : memref<512xf32, #tpu.memory_space<hbm>>)
      tpu.yield
    }) : () -> ()
    return
  }
}

</mosaic_0001>

<sc_bundles>
// kernel: kernel.3.cloned.1.call-start
scs
__scs_entry_jumppad:
0x0: {  	(pc) =	sbr.rel $0x88, $3  }
0x1: {  	(tag) =	ssettag $0x0;
	lr =	simm.s32 $0x1  }
0x2: {  	[smem:$0x3F9D] =	sst lr;
	_ =	strace $0xD0000000  }
0x3: {  	_ = 	snop  }
0x4: {  	_ = 	snop  }
0x5: {  	_ = 	snop  }
0x6: {  	_ = 	snop  }
0x7: {  	_ = 	snop  }
__scs_overlays_trampoline_lowered:
0x8: {  	[smem:$0x3FAC] =	sst s0  }
0x9: {  	[smem:$0x3FAD] =	sst s1  }
0xa: {  	[smem:$0x3FAE] =	sst s2  }
0xb: {  	[smem:$0x3FAF] =	sst s3  }
0xc: {  	[smem:$0x3FB0] =	sst s4  }
0xd: {  	[smem:$0x3FB1] =	sst s5  }
0xe: {  	[smem:$0x3FB2] =	sst s6  }
0xf: {  	[smem:$0x3FB3] =	sst s7  }
0x10: {  	[smem:$0x3FB4] =	sst s8  }
0x11: {  	[smem:$0x3FB5] =	sst s9;
	s0 =	simm.s32 @!p0 $0x0  }
0x12: {  	s1 =	sld [smem:$0x3F9B];
	s0 =	simm.s32 @p0 $0x1  }
0x13: {  	[smem:$0x3FB6] =	sst s0;
	s0 =	simm.s32 @!p1 $0x0  }
0x14: {  	s2 =	sld [smem:$0x3F9A];
	s0 =	simm.s32 @p1 $0x1  }
0x15: {  	[smem:$0x3FB7] =	sst s0;
	s0 =	simm.s32 @!p2 $0x0  }
0x16: {  	s3 =	sld [smem:$0x3FDB];
	s0 =	simm.s32 @p2 $0x1  }
0x17: {  	s4 =	simm.s32 $0x1BF5;
	[smem:$0x3FB9] =	sst s0  }
0x18: {  	s0 =	sld [smem:$0x3F9C];
	_ =	swait.ge [sflag:s4], $0x0  }
0x19: {  	s7 =	sld [smem:$0x3F9D]  }
0x1a: {  	s8 =	sadd.s32 $0xFFFFE003, lr  }
0x1b: {  	s9 =	sadd.s32 $0xFFFFFEF7, lr;
	s5 =	simm.s32 $0xFFFFFFFF;
	p2 =	slt.u32 s8, $0xFFFFF086  }
0x1c: {  	p1 =	slt.u32 s9, $0xF7A;
	s5 =	simm.s32 @!p2 $0x0  }
0x1d: {  	s5 =	simm.s32 @p1 $0x1;
	p0 =	seq.s32 s7, s2  }
0x1e: {  	s7 =	smul.u32 @!p0 $0xF7A, s2;
	p2 =	seq.s32 @!p0 s5, $0x0  }
0x1f: {  	s9 =	smul.u32 $0xF7A, s1;
	s8 =	simm.s32 @!p0 $0x1BF5;
	p2 =	por !p2, p0  }
0x20: {  	[sflag:s8] =	ssyncset.s32 @!p0 $0xFFFFF086;
	s6 =	sadd.s32 @!p0 s3, s7;
	s7 =	simm.s32 @!p0 $0x108  }
0x21: {  	s3 =	sadd.s32 s3, s9;
	s6 =	sadd.s32 @!p0 $0x88, s6;
	s7 =	simm.s32 @p2 $0x1082  }
0x22: {  	[simem:s7], [sflag:s8] =	dma.local @!p0 [hbm:s6], $0xF7A  }
0x23: {  	s9 =	sor.u32 $0xD0000000, s2;
	s6 =	simm.s32 $0x108;
	_ =	swait.ge @!p0 [sflag:s8], $0x0  }
0x24: {  	s3 =	sadd.s32 $0x88, s3;
	s6 =	simm.s32 @!p1 $0x1082;
	[sflag:s4] =	ssyncset.s32 $0xFFFFF086  }
0x25: {  	[simem:s6], [sflag:s4] =	dma.local [hbm:s3], $0xF7A  }
0x26: {  	[smem:$0x3F9D] =	sst s1;
	(tag) =	ssettag s2;
	_ =	strace s9  }
0x27: {  	s1 =	sld [smem:$0x3FAD]  }
0x28: {  	s2 =	sld [smem:$0x3FAE]  }
0x29: {  	s4 =	sld [smem:$0x3FB0]  }
0x2a: {  	p0 =	seq.s32 s5, $0x0;
	s5 =	sld [smem:$0x3FB1]  }
0x2b: {  	s6 =	sld [smem:$0x3FB2]  }
0x2c: {  	s7 =	sld [smem:$0x3FB3]  }
0x2d: {  	s3 =	simm.s32 $0x108;
	s8 =	sld [smem:$0x3FB4]  }
0x2e: {  	s3 =	simm.s32 @!p0 $0x1082;
	s9 =	sld [smem:$0x3FB5]  }
0x2f: {  	lr =	sadd.s32 s0, s3;
	s0 =	sld [smem:$0x3FAC]  }
0x30: {  	s3 =	sld [smem:$0x3FAF]  }
0x31: {  	[smem:$0x3FB8] =	sst s10  }
0x32: {  	s10 =	sld [smem:$0x3FB6];
	_ =	sdelay $0x3  }
0x33: {  	p0 =	seq.s32 s10, $0x1;
	s10 =	sld [smem:$0x3FB8];
	_ =	sdelay $0x3  }
0x34: {  	[smem:$0x3FB8] =	sst s10  }
0x35: {  	s10 =	sld [smem:$0x3FB7];
	_ =	sdelay $0x3  }
0x36: {  	p1 =	seq.s32 s10, $0x1;
	s10 =	sld [smem:$0x3FB8];
	_ =	sdelay $0x3  }
0x37: {  	[smem:$0x3FB8] =	sst s10  }
0x38: {  	s10 =	sld [smem:$0x3FB9]  }
0x39: {  	_ = 	snop;
	(pc) =	sbr.ind lr, $3  }
0x3a: {  	_ = 	snop  }
0x3b: {  	_ = 	snop  }
0x3c: {  	p2 =	seq.s32 s10, $0x1;
	s10 =	sld [smem:$0x3FB8]  }
0x3d: {  	_ =	shalt  }
0x3e: {  	_ =	shalt  }
0x3f: {  	_ =	shalt  }
0x40: {  	_ =	shalt  }
0x41: {  	_ =	shalt  }
0x42: {  	_ =	shalt  }
0x43: {  	_ =	shalt  }
0x44: {  	_ =	shalt  }
0x45: {  	_ =	shalt  }
0x46: {  	_ =	shalt  }
0x47: {  	_ =	shalt  }
0x48: {  	_ =	shalt  }
0x49: {  	_ =	shalt  }
0x4a: {  	_ =	shalt  }
0x4b: {  	_ =	shalt  }
0x4c: {  	_ =	shalt  }
0x4d: {  	_ =	shalt  }
0x4e: {  	_ =	shalt  }
0x4f: {  	_ =	shalt  }
0x50: {  	_ =	shalt  }
0x51: {  	_ =	shalt  }
0x52: {  	_ =	shalt  }
0x53: {  	_ =	shalt  }
0x54: {  	_ =	shalt  }
0x55: {  	_ =	shalt  }
0x56: {  	_ =	shalt  }
0x57: {  	_ =	shalt  }
0x58: {  	_ =	shalt  }
0x59: {  	_ =	shalt  }
0x5a: {  	_ =	shalt  }
0x5b: {  	_ =	shalt  }
0x5c: {  	_ =	shalt  }
0x5d: {  	_ =	shalt  }
0x5e: {  	_ =	shalt  }
0x5f: {  	_ =	shalt  }
0x60: {  	_ =	shalt  }
0x61: {  	_ =	shalt  }
0x62: {  	_ =	shalt  }
0x63: {  	_ =	shalt  }
0x64: {  	_ =	shalt  }
0x65: {  	_ =	shalt  }
0x66: {  	_ =	shalt  }
0x67: {  	_ =	shalt  }
0x68: {  	_ =	shalt  }
0x69: {  	_ =	shalt  }
0x6a: {  	_ =	shalt  }
0x6b: {  	_ =	shalt  }
0x6c: {  	_ =	shalt  }
0x6d: {  	_ =	shalt  }
0x6e: {  	_ =	shalt  }
0x6f: {  	_ =	shalt  }
0x70: {  	_ =	shalt  }
0x71: {  	_ =	shalt  }
0x72: {  	_ =	shalt  }
0x73: {  	_ =	shalt  }
0x74: {  	_ =	shalt  }
0x75: {  	_ =	shalt  }
0x76: {  	_ =	shalt  }
0x77: {  	_ =	shalt  }
0x78: {  	_ =	shalt  }
0x79: {  	_ =	shalt  }
0x7a: {  	_ =	shalt  }
0x7b: {  	_ =	shalt  }
0x7c: {  	_ =	shalt  }
0x7d: {  	_ =	shalt  }
0x7e: {  	_ =	shalt  }
0x7f: {  	_ =	shalt  }
0x80: {  	_ =	shalt  }
0x81: {  	_ =	shalt  }
0x82: {  	_ =	shalt  }
0x83: {  	_ =	shalt  }
0x84: {  	_ =	shalt  }
0x85: {  	_ =	shalt  }
0x86: {  	_ =	shalt  }
0x87: {  	_ =	shalt  }
.Lfunc_end0:
.L_simem_size_0:
called_computation_lowered:
.L_overlay_start_0:
0x88: {  	s2 =	sld [smem:$0x3FD9]  }
0x89: {  	s3 =	sld [smem:$0x3FFE];
	_ =	sdelay $0x1  }
0x8a: {  	s1 =	srdreg.scid  }
0x8b: {  	s0 =	sand.u32 $0x1, s1  }
0x8c: {  	s17 =	sshll.u32 s0, $0xA;
	s2 =	sadd.s32 s3, s2  }
0x8d: {  	s2 =	sadd.s32 s2, s17  }
0x8e: {  	[smem:$0x3FC4] =	sst s2  }
0x8f: {  	_ = 	snop  }
0x90: {  	s2 =	sld [smem:$0x3FC9]  }
0x91: {  	s18 =	sld [smem:$0x3FC8]  }
0x92: {  	s4 =	sld [smem:$0x3FD0];
	(tm) =	ssettm $0x1  }
0x93: {  	s5 =	sld [smem:$0x3FFB];
	_ =	sdelay $0x3  }
0x94: {  	_ =	strace s5  }
0x95: {  	s5 =	sld [smem:$0x3FFC];
	_ =	sdelay $0x3  }
0x96: {  	_ =	strace s5  }
0x97: {  	s5 =	sld [smem:$0x3FFD];
	_ =	sdelay $0x3  }
0x98: {  	_ =	strace s5  }
0x99: {  	_ =	strace $0x8FFFFFFF  }
0x9a: {  	s19 =	sld [smem:$0x3FDB];
	_ =	sdelay $0x1  }
0x9b: {  	s6 =	simm.s32 $_scs_section_size  }
0x9c: {  	s7 =	simm.s32 $_size__tile_overlayer_lowered;
	s8 =	simm.s32 $_tile_overlayer_lowered  }
0x9d: {  	s22 =	simm.s32 $0x1BFF;
	s21 =	sshll.u32 s8, $0x1;
	s5 =	sadd.s32 s6, s19  }
0x9e: {  	s9 =	simm.s32 $0x0;
	s20 =	sshll.u32 s7, $0x1;
	s7 =	sadd.s32 s21, s5  }
0x9f: {  	[timem:s9], [sflag:s22] =	dma.local [hbm:s7], s20  }
0xa0: {  	_ =	swait.ge [sflag:s22], s20  }
0xa1: {  	s6 =	ssub.s32 $0x0, s20;
	[sflag:s22] =	ssyncset.done $0x0  }
0xa2: {  	[sflag:s22] =	ssyncadd.s32 s6;
	_ =	sdelay $0x1  }
0xa3: {  	s23 =	simm.s32 $0x1B8B  }
0xa4: {  	_ =	swait.ge [sflag:s23], $0x1  }
0xa5: {  	[sflag:s23] =	ssyncset.done $0x0  }
0xa6: {  	s25 =	simm.s32 $0x1B8E;
	s24 =	sld [smem:$0x3FFE];
	[sflag:s23] =	ssyncadd.s32 $0xFFFFFFFF  }
0xa7: {  	s26 =	simm.s32 $execute0_lowered;
	[smem:$0x3FD2] =	sst s25  }
0xa8: {  	s7 =	sshll.u32 s26, $0x1;
	_ =	strace $0x80000046;
	[dreg:$0x1] =	wrdreg $0xFFFFFFFF  }
0xa9: {  	s28 =	simm.s32 $_size_execute0_lowered;
	s5 =	sadd.s32 s5, s7;
	[dreg:$0x0] =	wrdreg $0x0  }
0xaa: {  	s7 =	sshll.u32 s28, $0x1;
	[dreg:$0x2] =	wrdreg s5  }
0xab: {  	[dreg:$0x3] =	wrdreg s7  }
0xac: {  	[dreg:$0x4] =	wrdreg $0xC0  }
0xad: {  	_ =	task [dreg:s9], $0x5FFFF  }
0xae: {  	[dreg:$0x1] =	wrdreg $0xFFFFFFFF  }
0xaf: {  	[dreg:$0x0] =	wrdreg $0x60  }
0xb0: {  	[dreg:$0x2] =	wrdreg s2  }
0xb1: {  	[dreg:$0x3] =	wrdreg s18  }
0xb2: {  	[dreg:$0x4] =	wrdreg s24  }
0xb3: {  	[dreg:$0x5] =	wrdreg s4  }
0xb4: {  	[dreg:$0x6] =	wrdreg $0x9  }
0xb5: {  	_ =	task.clear_ibuf [dreg:s9], $0x7FFFF;
	_ =	strace $0x90000046  }
0xb6: {  	s29 =	simm.s32 $0x9;
	_ =	strace $0x80000048  }
0xb7: {  	_ =	swait.ge [sflag:s29], $0x1  }
0xb8: {  	[sflag:s29] =	ssyncadd.s32 $0xFFFFFFFF  }
0xb9: {  	_ =	strace $0x90000048  }
0xba: {  	_ =	sfence  }
0xbb: {  	s30 =	sld [smem:$0x0];
	_ =	sdelay $0x2  }
0xbc: {  	s31 =	sshll.u32 s1, $0xD;
	s1 =	sshrl.u32 s1, $0x2  }
0xbd: {  	s3 =	sand.u32 $0x4000, s31;
	s1 =	sadd.s32 s1, s30  }
0xbe: {  	s0 =	sor.u32 s3, s0;
	s1 =	sshll.u32 s1, $0x11  }
0xbf: {  	s0 =	sor.u32 s1, s0  }
0xc0: {  	s0 =	sadd.s32 $0x8F2B, s0  }
0xc1: {  	[sflag:s0] =	ssyncadd.remote.s32 $0x1  }
0xc2: {  	_ =	sfence.sel $0xFFFF  }
0xc3: {  	[dreg:$0x0] =	wrdreg $0xFFFFFFFF;
	(pc) =	sbr.abs _section_cstart, $3  }
0xc4: {  	[dreg:$0x1] =	wrdreg $0xFFFFFFFF  }
0xc5: {  	_ =	task.clear_ibuf [dreg:s9], $0x2FFFF;
	_ =	strace $0x9FFFFFFF  }
0xc6: {  	(tm) =	ssettm $0x7FFFFFFF  }
0xc7: {  	_ =	shalt  }
tec
execute0_lowered:
.L_overlay_start_1:
0x0: {  	(tag) =	ssettag $0x1  }
0x1: {  	v0 =	vimm.s32 $0x76543210;
	v1 =	vimm.s32 $0xFEDCBA98  }
0x2: {  	v2 =	vimm.s32 $0xBA98FEDC;
	v3 =	vimm.s32 $0x32107654;
	v1 =	vunpack.c.l.s4.s8 v1  }
0x3: {  	v0 =	vunpack.c.l.s4.s8 v0;
	v2 =	vunpack.c.l.s4.s8 v2;
	v3 =	vunpack.c.l.s4.s8 v3  }
0x4: {  	v4 =	vimm.s32 $0xDCFE98BA;
	v5 =	vimm.s32 $0x54761032;
	v1 =	vunpack.c.0.s8.s32 v1  }
0x5: {  	v0 =	vunpack.c.0.s8.s32 v0;
	v2 =	vunpack.c.0.s8.s32 v2;
	v3 =	vunpack.c.0.s8.s32 v3  }
0x6: {  	s5 =	rddreg [dreg:$0x0];
	v4 =	vunpack.c.l.s4.s8 v4;
	v5 =	vunpack.c.l.s4.s8 v5;
	v1 =	vand.u32 $0xF, v1  }
0x7: {  	s0 =	rddreg [dreg:$0x1];
	v1 =	vcombine.low v1, v0;
	v0 =	vcombine.low v3, v2  }
0x8: {  	s4 =	rddreg [dreg:$0x2];
	v2 =	vunpack.c.0.s8.s32 v4;
	v3 =	vunpack.c.0.s8.s32 v5;
	v4 =	vimm.s32 $0xEFCDAB89  }
0x9: {  	s6 =	rddreg [dreg:$0x3];
	v6 =	vimm.s32 $0xBA983210;
	v5 =	vimm.s32 $0x67452301;
	v4 =	vunpack.c.l.s4.s8 v4  }
0xa: {  	s1 =	rddreg [dreg:$0x4];
	v5 =	vunpack.c.l.s4.s8 v5;
	v7 =	vcombine.low v3, v2;
	v2 =	vimm.s32 $0xDC985410  }
0xb: {  	s2 =	simm.s32 $0x0;
	s7 =	srdreg.scid;
	s3 =	stileid.u32;
	v6 =	vunpack.c.l.s4.s8 v6;
	v3 =	vunpack.c.l.s4.s8 v2  }
0xc: {  	s11 =	simm.s32 $0x100;
	s12 =	simm.s32 $0x200;
	s13 =	simm.s32 $0x8200;
	v4 =	vunpack.c.0.s8.s32 v4;
	v5 =	vunpack.c.0.s8.s32 v5  }
0xd: {  	s14 =	simm.s32 $0x10300;
	s15 =	simm.s32 $0x0;
	[smem:$0x7FF] =	sst s2;
	v45 =	vand.u32 $0xF, v0;
	v0 =	vunpack.c.0.s8.s32 v6;
	v63 =	vunpack.c.0.s8.s32 v3  }
0xe: {  	s7 =	sand.u32 $0x1, s7;
	s9 =	sshll.u32 s3, $0x7;
	s4 =	sadd.s32 $0x400, s4;
	v58 =	vand.u32 $0xF, v7;
	v8 =	vcombine.low v5, v4;
	v5 =	vlaneseq.u32  }
0xf: {  	_ =	strace $0x80000047;
	s8 =	ssub.s32 $0x2, s7;
	s7 =	sshll.u32 s7, $0x6;
	v3 =	vand.u32 $0xF, v0;
	[tilespmem:$0x1FFC0] =	vst v58;
	v0 =	vand.u32 $0x7, v5;
	v59 =	vand.u32 $0xF, v63  }
0x10: {  	s10 =	sshrl.u32 s8, $0x1;
	s7 =	sor.u32 s7, s9;
	s9 =	simm.s32 $0x2;
	v60 =	vand.u32 $0xF, v8;
	v22 =	vmul.u32 $0x2, v0;
	[tilespmem:$0x1FFD0] =	vst v59  }
0x11: {  	s8 =	ssub.s32 s8, s10;
	s5 =	sadd.s32 s5, s7;
	s6 =	sadd.s32 s6, s7;
	[tilespmem:$0x1FFE0] =	vst v60  }
0x12: {  	vm0 =	vmmov $0xff;
	s10 =	simm.s32 $0x1;
	s7 =	smax.u32 s8, $0x1;
	s8 =	simm.s32 $0x10200;
	[tilespmem:$0x1FFF0] =	vst v22  }
.LBB2_1:
0x13: {  	[tilespmem:s2], [sflag:$0x1] =	stream.linear.gather [hbm4b:s5+s2], $0x200, $0x38;
	[tilespmem:$0x10500] =	vst v63  }
0x14: {  	_ = 	snop  }
0x15: {  	[tilespmem:s8], [sflag:$0x2] =	stream.linear.gather [hbm4b:s4+s2], $0x100, $0x38;
	[tilespmem:$0x10500] =	vst v63  }
0x16: {  	_ =	swait.ge [sflag:s9], $0x100  }
0x17: {  	[sflag:s9] =	ssyncset.done $0x0  }
0x18: {  	[sflag:s9] =	ssyncadd.s32 $0xFFFFFF00  }
0x19: {  	_ =	swait.ge [sflag:s10], $0x200  }
0x1a: {  	[sflag:s10] =	ssyncset.done $0x0  }
0x1b: {  	[sflag:s10] =	ssyncadd.s32 $0xFFFFFE00  }
0x1c: {  	v0 =	vimm.s32 $0x80;
	[tilespmem:s12], [sflag:$0x1] =	stream.indirect.gather [hbm4b:s0+s11], $0x80, s2, s11, $0xb8;
	[tilespmem:$0x10500] =	vst v63  }
0x1d: {  	_ = 	snop  }
0x1e: {  	[tilespmem:s13], [sflag:$0x1] =	stream.indirect.gather [hbm4b:s0+s11], $0x80, s11, s11, $0xb8;
	[tilespmem:$0x10500] =	vst v63  }
0x1f: {  	v8 =	vld [tilespmem:$0x10200]  }
0x20: {  	v9 =	vld [tilespmem:$0x10210]  }
0x21: {  	v0 =	vld.idx.msk [tilespmem:v0+s8+$0x0], $0xffff  }
0x22: {  	v10 =	vld [tilespmem:$0x10220]  }
0x23: {  	v11 =	vld [tilespmem:$0x10230]  }
0x24: {  	v12 =	vld [tilespmem:$0x10240]  }
0x25: {  	v13 =	vld [tilespmem:$0x10250]  }
0x26: {  	v14 =	vld [tilespmem:$0x10260];
	[tilespmem:$0x1FFB0] =	vst v0  }
0x27: {  	v15 =	vld [tilespmem:$0x10270];
	_ =	swait.ge [sflag:s10], $0x8000  }
0x28: {  	[sflag:s10] =	ssyncset.done $0x0  }
0x29: {  	[sflag:s10] =	ssyncadd.s32 $0xFFFF8000  }
0x2a: {  	_ =	swait.ge [sflag:s10], $0x8000  }
0x2b: {  	[sflag:s10] =	ssyncset.done $0x0  }
0x2c: {  	s16 =	simm.s32 $0x0;
	[sflag:s10] =	ssyncadd.s32 $0xFFFF8000  }
.LBB2_2:
0x2d: {  	s18 =	sshll.u32 s16, $0xB  }
0x2e: {  	s17 =	sand.u32 $0x3FFFF800, s18  }
0x2f: {  	v16 =	vld [tilespmem:s17+$0x200]  }
0x30: {  	v17 =	vld [tilespmem:s17+$0x210]  }
0x31: {  	v18 =	vld [tilespmem:s17+$0x220]  }
0x32: {  	v22 =	vld [tilespmem:s17+$0x230]  }
0x33: {  	v23 =	vld [tilespmem:s17+$0x240]  }
0x34: {  	v25 =	vld [tilespmem:s17+$0x250]  }
0x35: {  	v31 =	vld [tilespmem:s17+$0x260]  }
0x36: {  	v33 =	vld [tilespmem:s17+$0x270]  }
0x37: {  	v20 =	vld [tilespmem:s17+$0x280]  }
0x38: {  	v24 =	vld [tilespmem:s17+$0x290]  }
0x39: {  	v29 =	vld [tilespmem:s17+$0x2A0]  }
0x3a: {  	v32 =	vld [tilespmem:s17+$0x2B0]  }
0x3b: {  	v34 =	vld [tilespmem:s17+$0x2C0]  }
0x3c: {  	v38 =	vld [tilespmem:s17+$0x2D0]  }
0x3d: {  	v41 =	vld [tilespmem:s17+$0x2E0]  }
0x3e: {  	v42 =	vld [tilespmem:s17+$0x2F0]  }
0x3f: {  	v46 =	vld [tilespmem:s17+$0x300]  }
0x40: {  	v47 =	vld [tilespmem:s17+$0x310]  }
0x41: {  	v49 =	vld [tilespmem:s17+$0x320]  }
0x42: {  	v50 =	vld [tilespmem:s17+$0x330]  }
0x43: {  	v55 =	vld [tilespmem:s17+$0x340]  }
0x44: {  	v57 =	vld [tilespmem:s17+$0x350]  }
0x45: {  	v60 =	vld [tilespmem:s17+$0x360]  }
0x46: {  	v27 =	vld [tilespmem:s17+$0x370]  }
0x47: {  	v52 =	vld [tilespmem:s17+$0x380]  }
0x48: {  	v54 =	vld [tilespmem:s17+$0x390]  }
0x49: {  	v7 =	vld [tilespmem:s17+$0x3A0]  }
0x4a: {  	v4 =	vld [tilespmem:s17+$0x3B0]  }
0x4b: {  	v5 =	vld [tilespmem:s17+$0x3C0]  }
0x4c: {  	v0 =	vld [tilespmem:s17+$0x3D0]  }
0x4d: {  	v2 =	vld [tilespmem:s17+$0x3E0]  }
0x4e: {  	v6 =	vld [tilespmem:s17+$0x3F0]  }
0x4f: {  	v19 =	vld [tilespmem:s17+$0x400]  }
0x50: {  	v26 =	vld [tilespmem:s17+$0x410]  }
0x51: {  	v28 =	vld [tilespmem:s17+$0x420]  }
0x52: {  	v51 =	vld [tilespmem:s17+$0x540]  }
0x53: {  	v36 =	vld [tilespmem:s17+$0x430]  }
0x54: {  	v39 =	vld [tilespmem:s17+$0x440]  }
0x55: {  	v43 =	vld [tilespmem:s17+$0x450]  }
0x56: {  	v44 =	vld [tilespmem:s17+$0x460]  }
0x57: {  	[tilespmem:$0x1FF20] =	vst v51;
	v51 =	vld [tilespmem:s17+$0x5B0]  }
0x58: {  	v21 =	vld [tilespmem:s17+$0x470]  }
0x59: {  	v30 =	vld [tilespmem:s17+$0x480]  }
0x5a: {  	v35 =	vld [tilespmem:s17+$0x490]  }
0x5b: {  	v37 =	vld [tilespmem:s17+$0x4A0]  }
0x5c: {  	[tilespmem:$0x1FF40] =	vst v51;
	v51 =	vld [tilespmem:s17+$0x5C0]  }
0x5d: {  	v40 =	vld [tilespmem:s17+$0x4B0]  }
0x5e: {  	v61 =	vld [tilespmem:s17+$0x4C0]  }
0x5f: {  	v53 =	vld [tilespmem:s17+$0x4D0]  }
0x60: {  	v62 =	vld [tilespmem:s17+$0x4E0];
	[tilespmem:$0x1FEF0] =	vst v21  }
0x61: {  	v63 =	vld [tilespmem:s17+$0x4F0];
	v21 =	vmul.f32 v20, v8;
	[tilespmem:$0x1FF60] =	vst v51;
	v51 =	vmul.f32 v24, v9  }
0x62: {  	v56 =	vld [tilespmem:s17+$0x520];
	v16 =	vmul.f32 v16, v8;
	v17 =	vmul.f32 v17, v9  }
0x63: {  	v21 =	vadd.f32 v51, v21;
	v51 =	vld [tilespmem:s17+$0x5F0]  }
0x64: {  	v48 =	vld [tilespmem:s17+$0x530];
	v16 =	vadd.f32 v17, v16;
	v17 =	vmul.f32 v18, v10  }
0x65: {  	v58 =	vld [tilespmem:s17+$0x550];
	v29 =	vmul.f32 v29, v10  }
0x66: {  	v59 =	vld [tilespmem:s17+$0x560];
	[tilespmem:$0x1FF00] =	vst v62;
	v22 =	vmul.f32 v22, v11;
	v16 =	vadd.f32 v16, v17  }
0x67: {  	[tilespmem:$0x1FF30] =	vst v63;
	v62 =	vld [tilespmem:s17+$0x500];
	v21 =	vadd.f32 v21, v29;
	v29 =	vmul.f32 v32, v11  }
0x68: {  	v63 =	vld [tilespmem:s17+$0x510];
	v34 =	vmul.f32 v34, v12;
	v16 =	vadd.f32 v16, v22;
	[tilespmem:$0x1FF90] =	vst v51;
	v51 =	vmul.f32 v23, v12  }
0x69: {  	[tilespmem:$0x1FF10] =	vst v48;
	v48 =	vld [tilespmem:s17+$0x570];
	v38 =	vmul.f32 v38, v13;
	v46 =	vmul.f32 v46, v8;
	v21 =	vadd.f32 v21, v29  }
0x6a: {  	[tilespmem:$0x1FF50] =	vst v58;
	v58 =	vld [tilespmem:s17+$0x580];
	v47 =	vmul.f32 v47, v9;
	v23 =	vmul.f32 v25, v13;
	v16 =	vadd.f32 v16, v51  }
0x6b: {  	[tilespmem:$0x1FF70] =	vst v59;
	v59 =	vld [tilespmem:s17+$0x590];
	v21 =	vadd.f32 v21, v34;
	v34 =	vmul.f32 v52, v8;
	v51 =	vmul.f32 v54, v9  }
0x6c: {  	v20 =	vld [tilespmem:s17+$0x5D0];
	v31 =	vmul.f32 v31, v14;
	v52 =	vmul.f32 v49, v10;
	v16 =	vadd.f32 v16, v23  }
0x6d: {  	v18 =	vld [tilespmem:s17+$0x600];
	v49 =	vmul.f32 v7, v10;
	v23 =	vadd.f32 v47, v46;
	v34 =	vadd.f32 v51, v34  }
0x6e: {  	v50 =	vmul.f32 v50, v11;
	v41 =	vmul.f32 v41, v14;
	v17 =	vld [tilespmem:s17+$0x610]  }
0x6f: {  	v4 =	vmul.f32 v4, v11;
	[tilespmem:$0x1FF80] =	vst v48;
	v48 =	vld [tilespmem:s17+$0x5A0];
	v23 =	vadd.f32 v23, v52;
	v34 =	vadd.f32 v34, v49  }
0x70: {  	v5 =	vmul.f32 v5, v12;
	v57 =	vmul.f32 v57, v13;
	v22 =	vld [tilespmem:s17+$0x650];
	v21 =	vadd.f32 v21, v38  }
0x71: {  	v24 =	vld [tilespmem:s17+$0x5E0];
	v38 =	vmul.f32 v55, v12;
	v23 =	vadd.f32 v23, v50;
	v4 =	vadd.f32 v34, v4  }
0x72: {  	v42 =	vmul.f32 v42, v15;
	v32 =	vld [tilespmem:s17+$0x620];
	v55 =	vmul.f32 v33, v15;
	v16 =	vadd.f32 v16, v31  }
0x73: {  	v0 =	vmul.f32 v0, v13;
	v29 =	vld [tilespmem:s17+$0x630];
	v23 =	vadd.f32 v23, v38;
	v4 =	vadd.f32 v4, v5  }
0x74: {  	v2 =	vmul.f32 v2, v14;
	v25 =	vld [tilespmem:s17+$0x640];
	v21 =	vadd.f32 v21, v41;
	v5 =	vadd.f32 v16, v55  }
0x75: {  	v7 =	vld [tilespmem:s17+$0x670];
	v34 =	vmul.f32 v60, v14;
	v16 =	vadd.f32 v23, v57;
	v0 =	vadd.f32 v4, v0  }
0x76: {  	v6 =	vmul.f32 v6, v15;
	v54 =	vld [tilespmem:s17+$0x660];
	v21 =	vadd.f32 v21, v42;
	v42 =	vmul.f32 v26, v9  }
0x77: {  	v33 =	vld [tilespmem:s17+$0x6D0];
	v4 =	vadd.f32 v16, v34;
	v16 =	vmul.f32 v27, v15;
	v0 =	vadd.f32 v0, v2  }
0x78: {  	v46 =	vld [tilespmem:s17+$0x6B0];
	v47 =	vperm.xlane v5, v1;
	v2 =	vmul.f32 v19, v8  }
0x79: {  	v41 =	vld [tilespmem:s17+$0x6C0];
	v31 =	vperm.xlane v21, v1;
	v4 =	vadd.f32 v4, v16;
	v0 =	vadd.f32 v0, v6  }
0x7a: {  	v52 =	vld [tilespmem:s17+$0x680];
	v5 =	vadd.f32 v47, v5;
	v2 =	vadd.f32 v42, v2;
	v6 =	vmul.f32 v28, v10  }
0x7b: {  	v49 =	vld [tilespmem:s17+$0x6A0];
	v16 =	vadd.f32 v31, v21;
	v34 =	vperm.xlane v4, v1;
	v21 =	vperm.xlane v0, v1  }
0x7c: {  	[tilespmem:$0x1FFA0] =	vst v54;
	v54 =	vld [tilespmem:s17+$0x690];
	v2 =	vadd.f32 v2, v6;
	v6 =	vmul.f32 v36, v11  }
0x7d: {  	v60 =	vld [tilespmem:s17+$0x710];
	v5 =	vsel vm0, v5, v16;
	v4 =	vadd.f32 v34, v4;
	v0 =	vadd.f32 v21, v0  }
0x7e: {  	v50 =	vld [tilespmem:s17+$0x730];
	v36 =	vmul.f32 v37, v10;
	v37 =	vperm.xlane v5, v45  }
0x7f: {  	v38 =	vld [tilespmem:s17+$0x6E0];
	v4 =	vsel vm0, v4, v0  }
0x80: {  	v55 =	vld [tilespmem:s17+$0x720];
	v16 =	vmul.f32 v30, v8;
	v30 =	vadd.f32 v37, v5;
	v5 =	vperm.xlane v4, v45  }
0x81: {  	v51 =	vmul.f32 v35, v9;
	v23 =	vld [tilespmem:s17+$0x6F0]  }
0x82: {  	v57 =	vld [tilespmem:s17+$0x700];
	v35 =	vadd.f32 v5, v4;
	v4 =	vmul.f32 v62, v8;
	v5 =	vmul.f32 v63, v9  }
0x83: {  	v47 =	vld [tilespmem:s17+$0x740]  }
0x84: {  	v27 =	vld [tilespmem:s17+$0x790];
	v4 =	vadd.f32 v5, v4;
	v5 =	vmul.f32 v56, v10  }
0x85: {  	v42 =	vld [tilespmem:s17+$0x750]  }
0x86: {  	v4 =	vadd.f32 v4, v5;
	v5 =	vld [tilespmem:$0x1FF10]  }
0x87: {  	v31 =	vld [tilespmem:s17+$0x760]  }
0x88: {  	v28 =	vld [tilespmem:s17+$0x7A0]  }
0x89: {  	v34 =	vld [tilespmem:s17+$0x770]  }
0x8a: {  	v2 =	vadd.f32 v2, v6;
	v6 =	vmul.f32 v39, v12;
	v21 =	vld [tilespmem:s17+$0x780];
	v39 =	vmul.f32 v40, v11  }
0x8b: {  	v40 =	vmul.f32 v61, v12;
	v61 =	vld [tilespmem:s17+$0x7D0];
	v5 =	vmul.f32 v5, v11  }
0x8c: {  	v16 =	vadd.f32 v51, v16;
	v51 =	vmul.f32 v58, v8;
	v58 =	vld [tilespmem:s17+$0x810]  }
0x8d: {  	v4 =	vadd.f32 v4, v5;
	v5 =	vld [tilespmem:$0x1FF20]  }
0x8e: {  	v2 =	vadd.f32 v2, v6;
	v6 =	vmul.f32 v43, v13;
	v0 =	vadd.f32 v16, v36;
	v16 =	vld [tilespmem:s17+$0x7B0]  }
0x8f: {  	v43 =	vmul.f32 v53, v13;
	v53 =	vld [tilespmem:s17+$0x7E0]  }
0x90: {  	v2 =	vadd.f32 v2, v6;
	v6 =	vmul.f32 v44, v14;
	v19 =	vadd.f32 v0, v39;
	v0 =	vld [tilespmem:s17+$0x7C0]  }
0x91: {  	v63 =	vld [tilespmem:$0x1FF00]  }
0x92: {  	v6 =	vadd.f32 v2, v6;
	v2 =	vld [tilespmem:$0x1FEF0];
	v5 =	vmul.f32 v5, v12  }
0x93: {  	v62 =	vmul.f32 v59, v9;
	v59 =	vld [tilespmem:$0x1FF30]  }
0x94: {  	v4 =	vadd.f32 v4, v5;
	v5 =	vld [tilespmem:$0x1FF50]  }
0x95: {  	v19 =	vadd.f32 v19, v40;
	v40 =	vmul.f32 v48, v10;
	v48 =	vld [tilespmem:s17+$0x820]  }
0x96: {  	v56 =	vld [tilespmem:s17+$0x800]  }
0x97: {  	v26 =	vadd.f32 v62, v51;
	v62 =	vld [tilespmem:$0x1FF40];
	v44 =	vmul.f32 v2, v15  }
0x98: {  	v51 =	vld [tilespmem:s17+$0x880]  }
0x99: {  	v19 =	vadd.f32 v19, v43;
	v43 =	vld [tilespmem:s17+$0x850];
	v6 =	vadd.f32 v6, v44;
	v5 =	vmul.f32 v5, v13  }
0x9a: {  	v37 =	vmul.f32 v59, v15;
	v59 =	vld [tilespmem:$0x1FF60]  }
0x9b: {  	v39 =	vmul.f32 v63, v14;
	v63 =	vperm.xlane v6, v1;
	v4 =	vadd.f32 v4, v5;
	v5 =	vld [tilespmem:$0x1FF70]  }
0x9c: {  	v2 =	vld [tilespmem:s17+$0x7F0]  }
0x9d: {  	v6 =	vadd.f32 v63, v6;
	v63 =	vld [tilespmem:$0x1FF80]  }
0x9e: {  	v26 =	vadd.f32 v26, v40;
	v19 =	vadd.f32 v19, v39;
	v36 =	vmul.f32 v62, v11;
	v39 =	vld [tilespmem:s17+$0x840]  }
0x9f: {  	v44 =	vld [tilespmem:s17+$0x830]  }
0xa0: {  	v36 =	vadd.f32 v26, v36;
	v26 =	vld [tilespmem:s17+$0x860];
	v5 =	vmul.f32 v5, v14  }
0xa1: {  	v17 =	vmul.f32 v17, v9;
	v37 =	vadd.f32 v19, v37;
	v19 =	vld [tilespmem:s17+$0x870];
	v62 =	vmul.f32 v59, v12  }
0xa2: {  	v59 =	vld [tilespmem:s17+$0x890];
	v40 =	vmul.f32 v63, v15;
	v4 =	vadd.f32 v4, v5;
	v5 =	vmul.f32 v18, v8  }
0xa3: {  	v20 =	vmul.f32 v20, v13;
	v36 =	vadd.f32 v36, v62;
	v62 =	vld [tilespmem:s17+$0x8A0]  }
0xa4: {  	v4 =	vadd.f32 v4, v40;
	v5 =	vadd.f32 v17, v5;
	v17 =	vmul.f32 v32, v10;
	v40 =	vld [tilespmem:$0x1FF90]  }
0xa5: {  	v20 =	vadd.f32 v36, v20;
	v36 =	vld [tilespmem:s17+$0x8E0];
	v18 =	vperm.xlane v37, v1  }
0xa6: {  	v24 =	vmul.f32 v24, v14;
	v63 =	vld [tilespmem:s17+$0x8B0];
	v5 =	vadd.f32 v5, v17;
	v17 =	vmul.f32 v29, v11  }
0xa7: {  	v18 =	vadd.f32 v18, v37;
	v37 =	vld [tilespmem:s17+$0x8D0]  }
0xa8: {  	v25 =	vmul.f32 v25, v12;
	v20 =	vadd.f32 v20, v24;
	v17 =	vadd.f32 v5, v17;
	v5 =	vld [tilespmem:s17+$0x8F0]  }
0xa9: {  	v32 =	vperm.xlane v4, v1;
	v6 =	vsel vm0, v6, v18;
	v24 =	vmul.f32 v40, v15;
	v40 =	vld [tilespmem:s17+$0x8C0]  }
0xaa: {  	v18 =	vmul.f32 v52, v8;
	v52 =	vmul.f32 v54, v9;
	v17 =	vadd.f32 v17, v25;
	v25 =	vld [tilespmem:s17+$0x910]  }
0xab: {  	v22 =	vmul.f32 v22, v13;
	v24 =	vadd.f32 v20, v24;
	v20 =	vadd.f32 v32, v4;
	v32 =	vld [tilespmem:s17+$0x900]  }
0xac: {  	v54 =	vmul.f32 v49, v10;
	v49 =	vperm.xlane v6, v45;
	v4 =	vadd.f32 v52, v18;
	v52 =	vld [tilespmem:s17+$0x920]  }
0xad: {  	v7 =	vmul.f32 v7, v15;
	v46 =	vmul.f32 v46, v11;
	v17 =	vadd.f32 v17, v22;
	v22 =	vld [tilespmem:$0x1FFA0]  }
0xae: {  	v60 =	vmul.f32 v60, v9;
	v23 =	vmul.f32 v23, v15;
	v18 =	vadd.f32 v49, v6;
	v49 =	vld [tilespmem:s17+$0x950]  }
0xaf: {  	v6 =	vmul.f32 v41, v12;
	v41 =	vmul.f32 v38, v14;
	v38 =	vld [tilespmem:s17+$0x980];
	v4 =	vadd.f32 v4, v54  }
0xb0: {  	v27 =	vmul.f32 v27, v9;
	v29 =	vperm.xlane v24, v1;
	v54 =	vld [tilespmem:s17+$0x930]  }
0xb1: {  	v34 =	vmul.f32 v34, v15;
	v16 =	vmul.f32 v16, v11;
	v4 =	vadd.f32 v4, v46;
	v46 =	vld [tilespmem:s17+$0x940]  }
0xb2: {  	v24 =	vadd.f32 v29, v24;
	v29 =	vmul.f32 v22, v14;
	v22 =	vmul.f32 v57, v8;
	v57 =	vld [tilespmem:s17+$0x960]  }
0xb3: {  	v0 =	vmul.f32 v0, v12;
	v4 =	vadd.f32 v4, v6;
	v6 =	vmul.f32 v33, v13;
	v33 =	vld [tilespmem:s17+$0x9A0]  }
0xb4: {  	v2 =	vmul.f32 v2, v15;
	v22 =	vadd.f32 v60, v22;
	v60 =	vmul.f32 v55, v10;
	v55 =	vld [tilespmem:s17+$0x970]  }
0xb5: {  	v26 =	vmul.f32 v26, v14;
	v17 =	vadd.f32 v17, v29;
	v29 =	vmul.f32 v50, v11;
	v50 =	vld [tilespmem:s17+$0x990]  }
0xb6: {  	s18 =	sor.u32 $0x800, s18;
	v19 =	vmul.f32 v19, v15;
	v4 =	vadd.f32 v4, v6;
	v6 =	vmul.f32 v21, v8;
	v21 =	vld [tilespmem:s17+$0x9C0]  }
0xb7: {  	s18 =	sand.u32 $0x3FFFF800, s18;
	v7 =	vadd.f32 v17, v7;
	v17 =	vadd.f32 v22, v60;
	v60 =	vmul.f32 v47, v12;
	v47 =	vld [tilespmem:s17+$0x9B0]  }
0xb8: {  	v4 =	vadd.f32 v4, v41;
	v6 =	vadd.f32 v27, v6;
	v41 =	vmul.f32 v28, v10;
	v28 =	vld [tilespmem:s18+$0x220]  }
0xb9: {  	v25 =	vmul.f32 v25, v9;
	v32 =	vmul.f32 v32, v8;
	v17 =	vadd.f32 v17, v29;
	v29 =	vld [tilespmem:s18+$0x200]  }
0xba: {  	v6 =	vadd.f32 v6, v41;
	v41 =	vmul.f32 v42, v13;
	v42 =	vmul.f32 v31, v14;
	v31 =	vld [tilespmem:s18+$0x210]  }
0xbb: {  	v27 =	vperm.xlane v7, v1;
	v4 =	vadd.f32 v4, v23;
	v17 =	vadd.f32 v17, v60;
	v60 =	vld [tilespmem:s17+$0x9D0]  }
0xbc: {  	v20 =	vsel vm0, v20, v24;
	v22 =	vmul.f32 v56, v8;
	v6 =	vadd.f32 v6, v16;
	v16 =	vld [tilespmem:s17+$0x9E0]  }
0xbd: {  	v7 =	vadd.f32 v27, v7;
	v23 =	vperm.xlane v4, v1;
	v27 =	vld [tilespmem:s17+$0x9F0];
	v17 =	vadd.f32 v17, v41  }
0xbe: {  	v0 =	vadd.f32 v6, v0;
	v6 =	vmul.f32 v61, v13;
	v61 =	vmul.f32 v58, v9;
	v58 =	vld [tilespmem:$0x1FFC0]  }
0xbf: {  	v28 =	vmul.f32 v28, v10;
	v56 =	vadd.f32 v23, v4;
	v4 =	vld [tilespmem:s18+$0x230];
	v29 =	vmul.f32 v29, v8  }
0xc0: {  	v23 =	vld [tilespmem:s18+$0x240];
	v31 =	vmul.f32 v31, v9;
	v17 =	vadd.f32 v17, v42;
	v0 =	vadd.f32 v0, v6  }
0xc1: {  	v42 =	vmul.f32 v59, v9;
	v59 =	vld [tilespmem:$0x1FFD0];
	v7 =	vsel vm0, v7, v56;
	v56 =	vperm.xlane v20, v45  }
0xc2: {  	v6 =	vmul.f32 v53, v14;
	v29 =	vadd.f32 v31, v29;
	v31 =	vld [tilespmem:s17+$0xC90];
	v53 =	vadd.f32 v17, v34  }
0xc3: {  	v17 =	vadd.f32 v61, v22;
	v34 =	vmul.f32 v48, v10;
	v20 =	vadd.f32 v56, v20;
	v56 =	vld [tilespmem:s17+$0xCA0]  }
0xc4: {  	v41 =	vmul.f32 v44, v11;
	v0 =	vadd.f32 v0, v6;
	v28 =	vadd.f32 v29, v28;
	v29 =	vld [tilespmem:s17+$0xCB0]  }
0xc5: {  	v48 =	vperm.xlane v30, v3;
	v6 =	vperm.xlane v35, v3;
	v22 =	vadd.f32 v17, v34;
	v17 =	vld [tilespmem:s18+$0x250]  }
0xc6: {  	v4 =	vmul.f32 v4, v11;
	v44 =	vadd.f32 v0, v2;
	v0 =	vmul.f32 v51, v8;
	v2 =	vld [tilespmem:s18+$0x260]  }
0xc7: {  	v51 =	vmul.f32 v62, v10;
	v62 =	vmul.f32 v38, v8;
	v38 =	vld [tilespmem:s17+$0xAB0]  }
0xc8: {  	v37 =	vmul.f32 v37, v13;
	v25 =	vadd.f32 v25, v32;
	v6 =	vsel vm0, v48, v6;
	v48 =	vld [tilespmem:s17+$0xC20]  }
0xc9: {  	v18 =	vperm.xlane v18, v3;
	v4 =	vadd.f32 v28, v4;
	v28 =	vld [tilespmem:s17+$0xD00];
	v0 =	vadd.f32 v42, v0  }
0xca: {  	v50 =	vmul.f32 v50, v9;
	v20 =	vperm.xlane v20, v3;
	v30 =	vadd.f32 v22, v41;
	v22 =	vld [tilespmem:s18+$0x270]  }
0xcb: {  	v35 =	vmul.f32 v39, v12;
	v61 =	vmul.f32 v63, v11;
	v41 =	vld [tilespmem:s17+$0xA80];
	v34 =	vadd.f32 v0, v51  }
0xcc: {  	v39 =	vmul.f32 v43, v13;
	v63 =	vmul.f32 v52, v10;
	v42 =	vld [tilespmem:s17+$0xA90];
	v18 =	vsel vm0, v18, v20  }
0xcd: {  	v20 =	vld [tilespmem:s17+$0xC70];
	v52 =	vadd.f32 v34, v61;
	v61 =	vadd.f32 v50, v62;
	v62 =	vmul.f32 v33, v10  }
0xce: {  	v25 =	vadd.f32 v25, v63;
	v63 =	vmul.f32 v54, v11;
	v30 =	vadd.f32 v30, v35;
	v0 =	vld [tilespmem:s17+$0xAA0]  }
0xcf: {  	v40 =	vmul.f32 v40, v12;
	v47 =	vmul.f32 v47, v11;
	v35 =	vld [tilespmem:s17+$0xAC0];
	v34 =	vadd.f32 v61, v62  }
0xd0: {  	v21 =	vmul.f32 v21, v12;
	v51 =	vadd.f32 v30, v39;
	v33 =	vld [tilespmem:s17+$0xAD0];
	v50 =	vadd.f32 v25, v63  }
0xd1: {  	v30 =	vld [tilespmem:s17+$0xAE0];
	v32 =	vadd.f32 v52, v40;
	v52 =	vmul.f32 v46, v12;
	v34 =	vadd.f32 v34, v47  }
0xd2: {  	v5 =	vmul.f32 v5, v15;
	v25 =	vld [tilespmem:s17+$0xAF0];
	v46 =	vadd.f32 v51, v26;
	v51 =	vmul.f32 v60, v13  }
0xd3: {  	v39 =	vld [tilespmem:s17+$0xB00];
	v54 =	vadd.f32 v50, v52;
	v50 =	vmul.f32 v49, v13;
	v21 =	vadd.f32 v34, v21  }
0xd4: {  	v16 =	vmul.f32 v16, v14;
	v40 =	vld [tilespmem:s17+$0xB10];
	v32 =	vadd.f32 v32, v37;
	v52 =	vmul.f32 v36, v14  }
0xd5: {  	v60 =	vld [tilespmem:$0x1FFE0];
	v26 =	vadd.f32 v54, v50;
	v54 =	vmul.f32 v57, v14;
	v21 =	vadd.f32 v21, v51  }
0xd6: {  	v55 =	vmul.f32 v55, v15;
	v31 =	vmul.f32 v31, v9;
	v37 =	vld [tilespmem:s17+$0xB20];
	v47 =	vadd.f32 v32, v52  }
0xd7: {  	v36 =	vld [tilespmem:s17+$0xB30];
	v57 =	vmul.f32 v27, v15;
	v43 =	vadd.f32 v26, v54;
	v16 =	vadd.f32 v21, v16  }
0xd8: {  	v62 =	vperm.xlane v44, v1;
	v46 =	vadd.f32 v46, v19;
	v19 =	vld [tilespmem:s17+$0xB70];
	v5 =	vadd.f32 v47, v5  }
0xd9: {  	v61 =	vperm.xlane v53, v1;
	v49 =	vld [tilespmem:s17+$0xC10];
	v43 =	vadd.f32 v43, v55;
	v16 =	vadd.f32 v16, v57  }
0xda: {  	v44 =	vadd.f32 v62, v44;
	v34 =	vld [tilespmem:s17+$0xB40];
	v63 =	vperm.xlane v46, v1;
	v57 =	vperm.xlane v5, v1  }
0xdb: {  	v32 =	vld [tilespmem:s17+$0xB50];
	v27 =	vadd.f32 v61, v53;
	v61 =	vperm.xlane v43, v1;
	v62 =	vperm.xlane v16, v1  }
0xdc: {  	v29 =	vmul.f32 v29, v11;
	v53 =	vld [tilespmem:s17+$0xBA0];
	v63 =	vadd.f32 v63, v46;
	v5 =	vadd.f32 v57, v5  }
0xdd: {  	v2 =	vmul.f32 v2, v14;
	v50 =	vld [tilespmem:s17+$0xBD0];
	v43 =	vadd.f32 v61, v43;
	v16 =	vadd.f32 v62, v16  }
0xde: {  	v41 =	vmul.f32 v41, v8;
	v52 =	vld [tilespmem:s17+$0xC30];
	v27 =	vsel vm0, v27, v44;
	v44 =	vperm.xlane v7, v45  }
0xdf: {  	v26 =	vld [tilespmem:s17+$0xB60];
	v57 =	vperm.xlane v27, v45;
	v5 =	vsel vm0, v63, v5;
	v61 =	vsel vm0, v43, v16  }
0xe0: {  	v51 =	vld [tilespmem:s17+$0xB90];
	v62 =	vperm.xlane v5, v45;
	v63 =	vperm.xlane v61, v45  }
0xe1: {  	v42 =	vmul.f32 v42, v9;
	v46 =	vld [tilespmem:s17+$0xBB0];
	v7 =	vadd.f32 v44, v7;
	v27 =	vadd.f32 v57, v27  }
0xe2: {  	v20 =	vmul.f32 v20, v15;
	v47 =	vld [tilespmem:s17+$0xBC0];
	v5 =	vadd.f32 v62, v5;
	v24 =	vadd.f32 v63, v61  }
0xe3: {  	v54 =	vld [tilespmem:s17+$0xC80];
	v7 =	vperm.xlane v7, v3;
	v27 =	vperm.xlane v27, v3  }
0xe4: {  	v21 =	vld [tilespmem:s17+$0xB80];
	v5 =	vperm.xlane v5, v3;
	v57 =	vperm.xlane v24, v3  }
0xe5: {  	v0 =	vmul.f32 v0, v10;
	v44 =	vld [tilespmem:s17+$0xC00];
	v62 =	vperm.xlane v18, v58  }
0xe6: {  	v55 =	vld [tilespmem:s17+$0xC50];
	v7 =	vsel vm0, v7, v27;
	v61 =	vperm.xlane v6, v58;
	v5 =	vsel vm0, v5, v57  }
0xe7: {  	v43 =	vld [tilespmem:s17+$0xBE0];
	v63 =	vperm.xlane v7, v58;
	v18 =	vadd.f32 v62, v18;
	v57 =	vperm.xlane v5, v58  }
0xe8: {  	v30 =	vmul.f32 v30, v14;
	v16 =	vld [tilespmem:s17+$0xBF0];
	v6 =	vadd.f32 v61, v6;
	v61 =	vadd.f32 v42, v41  }
0xe9: {  	v27 =	vld [tilespmem:s17+$0xC40];
	v7 =	vadd.f32 v63, v7;
	v18 =	vperm.xlane v18, v59;
	v5 =	vadd.f32 v57, v5  }
0xea: {  	v24 =	vld [tilespmem:s17+$0xC60];
	v63 =	vmul.f32 v38, v11;
	v6 =	vperm.xlane v6, v59;
	v0 =	vadd.f32 v61, v0  }
0xeb: {  	v41 =	vld [tilespmem:s17+$0xCC0];
	v7 =	vperm.xlane v7, v59;
	v5 =	vperm.xlane v5, v59  }
0xec: {  	v38 =	vld [tilespmem:s17+$0xCE0];
	v42 =	vmul.f32 v37, v10;
	v6 =	vsel vm0, v6, v18;
	v0 =	vadd.f32 v0, v63  }
0xed: {  	v37 =	vld [tilespmem:s17+$0xD50];
	v63 =	vmul.f32 v51, v9;
	v5 =	vsel vm0, v7, v5;
	v7 =	vmul.f32 v23, v12  }
0xee: {  	v51 =	vmul.f32 v36, v11;
	v36 =	vld [tilespmem:s17+$0xD80];
	v62 =	vperm.xlane v6, v60  }
0xef: {  	v25 =	vmul.f32 v25, v15;
	v57 =	vld [tilespmem:s17+$0xCF0];
	v4 =	vadd.f32 v4, v7;
	v7 =	vmul.f32 v17, v13  }
0xf0: {  	v23 =	vld [tilespmem:s17+$0xCD0];
	v61 =	vperm.xlane v5, v60;
	v17 =	vadd.f32 v62, v6;
	v6 =	vmul.f32 v35, v12  }
0xf1: {  	v49 =	vmul.f32 v49, v9;
	v62 =	vmul.f32 v40, v9;
	v35 =	vld [tilespmem:s17+$0xD30];
	v4 =	vadd.f32 v4, v7  }
0xf2: {  	v40 =	vld [tilespmem:s17+$0xE10];
	v18 =	vadd.f32 v61, v5;
	v0 =	vadd.f32 v0, v6;
	v6 =	vmul.f32 v33, v13  }
0xf3: {  	v5 =	vld [tilespmem:s17+$0xD10];
	v61 =	vmul.f32 v34, v12;
	v2 =	vadd.f32 v4, v2;
	v4 =	vmul.f32 v39, v8  }
0xf4: {  	v34 =	vld [tilespmem:s17+$0xD90];
	v7 =	vmul.f32 v22, v15;
	v0 =	vadd.f32 v0, v6;
	v6 =	vmul.f32 v21, v8  }
0xf5: {  	v19 =	vmul.f32 v19, v15;
	v32 =	vmul.f32 v32, v13;
	v22 =	vld [tilespmem:s17+$0xD20];
	v4 =	vadd.f32 v62, v4  }
0xf6: {  	v33 =	vld [tilespmem:s17+$0xDB0];
	v2 =	vadd.f32 v2, v7;
	v6 =	vadd.f32 v63, v6;
	v7 =	vmul.f32 v53, v10  }
0xf7: {  	v26 =	vmul.f32 v26, v14;
	v16 =	vmul.f32 v16, v15;
	v39 =	vld [tilespmem:s17+$0xD40];
	v30 =	vadd.f32 v0, v30  }
0xf8: {  	v21 =	vld [tilespmem:s17+$0xD60];
	v4 =	vadd.f32 v4, v42;
	v6 =	vadd.f32 v6, v7;
	v7 =	vmul.f32 v46, v11  }
0xf9: {  	v24 =	vmul.f32 v24, v14;
	v0 =	vld [tilespmem:s17+$0xD70];
	v63 =	vmul.f32 v44, v8;
	v25 =	vadd.f32 v30, v25  }
0xfa: {  	v44 =	vld [tilespmem:s17+$0xDF0];
	v4 =	vadd.f32 v4, v51;
	v6 =	vadd.f32 v6, v7;
	v7 =	vmul.f32 v47, v12  }
0xfb: {  	v53 =	vperm.xlane v2, v1;
	v30 =	vld [tilespmem:s17+$0xDA0];
	v62 =	vperm.xlane v25, v1  }
0xfc: {  	v42 =	vld [tilespmem:s17+$0xDC0];
	v4 =	vadd.f32 v4, v61;
	v6 =	vadd.f32 v6, v7;
	v7 =	vmul.f32 v50, v13  }
0xfd: {  	v23 =	vmul.f32 v23, v13;
	v46 =	vld [tilespmem:s17+$0xDD0];
	v2 =	vadd.f32 v53, v2;
	v25 =	vadd.f32 v62, v25  }
0xfe: {  	v47 =	vld [tilespmem:s17+$0xE20];
	v4 =	vadd.f32 v4, v32;
	v6 =	vadd.f32 v6, v7;
	v7 =	vmul.f32 v43, v14  }
0xff: {  	v50 =	vmul.f32 v48, v10;
	v62 =	vmul.f32 v27, v12;
	v27 =	vld [tilespmem:s17+$0xE30];
	v32 =	vadd.f32 v49, v63  }
0x100: {  	v5 =	vmul.f32 v5, v9;
	v48 =	vld [tilespmem:s17+$0xE40];
	v4 =	vadd.f32 v4, v26;
	v6 =	vadd.f32 v6, v7  }
0x101: {  	v53 =	vmul.f32 v52, v11;
	v61 =	vmul.f32 v54, v8;
	v43 =	vld [tilespmem:s17+$0xDE0];
	v51 =	vadd.f32 v32, v50  }
0x102: {  	v49 =	vmul.f32 v30, v10;
	v30 =	vld [tilespmem:s17+$0xF00];
	v4 =	vadd.f32 v4, v19;
	v6 =	vadd.f32 v6, v16  }
0x103: {  	v34 =	vmul.f32 v34, v9;
	v52 =	vmul.f32 v56, v10;
	v7 =	vld [tilespmem:s17+$0xE00];
	v19 =	vadd.f32 v31, v61  }
0x104: {  	v50 =	vld [tilespmem:s17+$0xE50];
	v16 =	vadd.f32 v51, v53;
	v63 =	vperm.xlane v4, v1;
	v53 =	vperm.xlane v6, v1  }
0x105: {  	v0 =	vmul.f32 v0, v15;
	v54 =	vmul.f32 v55, v13;
	v26 =	vld [tilespmem:s17+$0xE70];
	v19 =	vadd.f32 v19, v52  }
0x106: {  	v55 =	vmul.f32 v41, v12;
	v32 =	vld [tilespmem:s17+$0xEA0];
	v4 =	vadd.f32 v63, v4;
	v6 =	vadd.f32 v53, v6  }
0x107: {  	v2 =	vsel vm0, v2, v25;
	v31 =	vld [tilespmem:s17+$0xE60];
	v16 =	vadd.f32 v16, v62;
	v19 =	vadd.f32 v19, v29  }
0x108: {  	v52 =	vmul.f32 v33, v11;
	v33 =	vld [tilespmem:s17+$0xF20];
	v4 =	vsel vm0, v4, v6;
	v6 =	vperm.xlane v2, v45  }
0x109: {  	v61 =	vmul.f32 v38, v14;
	v16 =	vadd.f32 v16, v54;
	v29 =	vld [tilespmem:s17+$0xE80];
	v25 =	vadd.f32 v19, v55  }
0x10a: {  	v63 =	vmul.f32 v36, v8;
	v36 =	vld [tilespmem:s17+$0xEE0];
	v19 =	vadd.f32 v6, v2;
	v2 =	vmul.f32 v28, v8  }
0x10b: {  	v54 =	vmul.f32 v42, v12;
	v42 =	vld [tilespmem:s17+$0x1180];
	v16 =	vadd.f32 v16, v24;
	v56 =	vadd.f32 v25, v23  }
0x10c: {  	v62 =	vmul.f32 v57, v15;
	v24 =	vld [tilespmem:s17+$0xE90];
	v2 =	vadd.f32 v5, v2;
	v5 =	vmul.f32 v22, v10  }
0x10d: {  	v57 =	vmul.f32 v43, v14;
	v6 =	vld [tilespmem:s17+$0xEB0];
	v16 =	vadd.f32 v16, v20;
	v20 =	vadd.f32 v56, v61  }
0x10e: {  	v53 =	vperm.xlane v4, v45;
	v25 =	vld [tilespmem:s17+$0xEC0];
	v2 =	vadd.f32 v2, v5;
	v5 =	vmul.f32 v35, v11  }
0x10f: {  	v43 =	vmul.f32 v33, v10;
	v23 =	vadd.f32 v34, v63;
	v34 =	vld [tilespmem:s17+$0xF10];
	v20 =	vadd.f32 v20, v62  }
0x110: {  	v28 =	vld [tilespmem:s17+$0xF60];
	v41 =	vperm.xlane v16, v1;
	v2 =	vadd.f32 v2, v5;
	v5 =	vmul.f32 v39, v12  }
0x111: {  	v63 =	vld [tilespmem:s17+$0xF90];
	v23 =	vadd.f32 v23, v49;
	v56 =	vmul.f32 v46, v13;
	v51 =	vperm.xlane v20, v1  }
0x112: {  	v22 =	vld [tilespmem:s17+$0xED0];
	v46 =	vmul.f32 v29, v8;
	v2 =	vadd.f32 v2, v5;
	v5 =	vmul.f32 v37, v13  }
0x113: {  	v61 =	vld [tilespmem:s17+$0xF80];
	v49 =	vmul.f32 v32, v10;
	v24 =	vmul.f32 v24, v9;
	v38 =	vadd.f32 v51, v20  }
0x114: {  	v32 =	vld [tilespmem:s17+$0xFF0];
	v20 =	vadd.f32 v53, v4;
	v4 =	vmul.f32 v21, v14;
	v2 =	vadd.f32 v2, v5  }
0x115: {  	v35 =	vld [tilespmem:s17+$0xEF0];
	v16 =	vadd.f32 v41, v16;
	v23 =	vadd.f32 v23, v52;
	v62 =	vmul.f32 v44, v15  }
0x116: {  	v41 =	vld [tilespmem:s17+$0xF40];
	v2 =	vadd.f32 v2, v4;
	v4 =	vmul.f32 v7, v8;
	v7 =	vmul.f32 v40, v9  }
0x117: {  	v6 =	vmul.f32 v6, v11;
	v55 =	vadd.f32 v23, v54;
	v23 =	vadd.f32 v24, v46;
	v24 =	vld [tilespmem:s17+$0xFE0]  }
0x118: {  	v46 =	vld [tilespmem:s17+$0x1080];
	v22 =	vmul.f32 v22, v13;
	v4 =	vadd.f32 v7, v4;
	v7 =	vmul.f32 v47, v10  }
0x119: {  	v37 =	vld [tilespmem:s17+$0xF30];
	v21 =	vadd.f32 v55, v56;
	v23 =	vadd.f32 v23, v49;
	v53 =	vmul.f32 v25, v12  }
0x11a: {  	v25 =	vld [tilespmem:s17+$0x1000];
	v0 =	vadd.f32 v2, v0;
	v2 =	vadd.f32 v4, v7;
	v4 =	vmul.f32 v27, v11  }
0x11b: {  	v61 =	vmul.f32 v61, v8;
	v55 =	vmul.f32 v36, v14;
	v5 =	vld [tilespmem:s17+$0xF50];
	v21 =	vadd.f32 v21, v57  }
0x11c: {  	v6 =	vadd.f32 v23, v6;
	v23 =	vld [tilespmem:s17+$0x1020];
	v2 =	vadd.f32 v2, v4;
	v4 =	vmul.f32 v48, v12  }
0x11d: {  	v36 =	vld [tilespmem:s17+$0x11E0];
	v56 =	vmul.f32 v35, v15;
	v16 =	vsel vm0, v16, v38;
	v57 =	vmul.f32 v34, v9  }
0x11e: {  	v35 =	vld [tilespmem:s17+$0x1040];
	v21 =	vadd.f32 v21, v62;
	v2 =	vadd.f32 v2, v4;
	v4 =	vmul.f32 v50, v13  }
0x11f: {  	v38 =	vld [tilespmem:s17+$0xF70];
	v54 =	vperm.xlane v16, v45;
	v6 =	vadd.f32 v6, v53;
	v62 =	vmul.f32 v63, v9  }
0x120: {  	v47 =	vld [tilespmem:s17+$0xFA0];
	v52 =	vperm.xlane v21, v1;
	v2 =	vadd.f32 v2, v4;
	v4 =	vmul.f32 v31, v14  }
0x121: {  	v40 =	vld [tilespmem:s17+$0xFD0];
	v6 =	vadd.f32 v6, v22;
	v5 =	vmul.f32 v5, v13;
	v23 =	vmul.f32 v23, v10  }
0x122: {  	v27 =	vld [tilespmem:s17+$0xFC0];
	v51 =	vperm.xlane v0, v1;
	v2 =	vadd.f32 v2, v4;
	v4 =	vmul.f32 v26, v15  }
0x123: {  	v21 =	vadd.f32 v52, v21;
	v6 =	vadd.f32 v6, v55;
	v52 =	vmul.f32 v41, v12;
	v55 =	vld [tilespmem:s17+$0x10C0]  }
0x124: {  	v7 =	vld [tilespmem:s17+$0xFB0];
	v0 =	vadd.f32 v51, v0;
	v2 =	vadd.f32 v2, v4;
	v4 =	vmul.f32 v30, v8  }
0x125: {  	v53 =	vld [tilespmem:s17+$0x10B0];
	v6 =	vadd.f32 v6, v56;
	v56 =	vmul.f32 v38, v15;
	v44 =	vmul.f32 v47, v10  }
0x126: {  	v21 =	vsel vm0, v0, v21;
	v0 =	vadd.f32 v54, v16;
	v16 =	vld [tilespmem:s17+$0x1030];
	v4 =	vadd.f32 v57, v4  }
0x127: {  	v22 =	vadd.f32 v62, v61;
	v47 =	vmul.f32 v37, v11;
	v49 =	vperm.xlane v6, v1;
	v50 =	vld [tilespmem:s17+$0x10A0]  }
0x128: {  	v54 =	vmul.f32 v27, v12;
	v27 =	vmul.f32 v55, v12;
	v55 =	vld [tilespmem:s17+$0x11C0];
	v4 =	vadd.f32 v4, v43  }
0x129: {  	v22 =	vadd.f32 v22, v44;
	v7 =	vmul.f32 v7, v11;
	v51 =	vperm.xlane v21, v45;
	v31 =	vld [tilespmem:s17+$0x1010]  }
0x12a: {  	v61 =	vld [tilespmem:s17+$0x1100];
	v6 =	vadd.f32 v49, v6;
	v49 =	vmul.f32 v53, v11;
	v4 =	vadd.f32 v4, v47  }
0x12b: {  	v48 =	vld [tilespmem:s17+$0x1090];
	v53 =	vmul.f32 v42, v8;
	v7 =	vadd.f32 v22, v7;
	v63 =	vperm.xlane v2, v1  }
0x12c: {  	v21 =	vadd.f32 v51, v21;
	v22 =	vld [tilespmem:s17+$0x10E0];
	v44 =	vmul.f32 v50, v10;
	v4 =	vadd.f32 v4, v52  }
0x12d: {  	v51 =	vld [tilespmem:s17+$0x11B0];
	v16 =	vmul.f32 v16, v11;
	v26 =	vmul.f32 v55, v12;
	v2 =	vadd.f32 v63, v2  }
0x12e: {  	v30 =	vld [tilespmem:s17+$0x10D0];
	v62 =	vmul.f32 v31, v9;
	v4 =	vadd.f32 v4, v5;
	v5 =	vmul.f32 v28, v14  }
0x12f: {  	v63 =	vld [tilespmem:s17+$0x1110];
	v2 =	vsel vm0, v2, v6;
	v6 =	vadd.f32 v7, v54;
	v7 =	vmul.f32 v40, v13  }
0x130: {  	v40 =	vmul.f32 v48, v9;
	v48 =	vld [tilespmem:s17+$0x11A0];
	v4 =	vadd.f32 v4, v5;
	v5 =	vmul.f32 v25, v8  }
0x131: {  	v57 =	vmul.f32 v32, v15;
	v43 =	vld [tilespmem:s17+$0x1190];
	v6 =	vadd.f32 v6, v7;
	v7 =	vmul.f32 v24, v14  }
0x132: {  	v37 =	vld [tilespmem:s17+$0x10F0];
	v32 =	vmul.f32 v51, v11;
	v22 =	vmul.f32 v22, v14;
	v5 =	vadd.f32 v62, v5  }
0x133: {  	v30 =	vmul.f32 v30, v13;
	v6 =	vadd.f32 v6, v7;
	v7 =	vmul.f32 v46, v8;
	v46 =	vld [tilespmem:s17+$0x1120]  }
0x134: {  	v47 =	vmul.f32 v35, v12;
	v52 =	vld [tilespmem:s17+$0x1140];
	v24 =	vmul.f32 v36, v14;
	v5 =	vadd.f32 v5, v23  }
0x135: {  	v50 =	vld [tilespmem:s17+$0x1130];
	v31 =	vmul.f32 v63, v9;
	v28 =	vmul.f32 v48, v10;
	v6 =	vadd.f32 v6, v57  }
0x136: {  	v34 =	vld [tilespmem:s17+$0x1050];
	v25 =	vmul.f32 v43, v9;
	v5 =	vadd.f32 v5, v16;
	v16 =	vmul.f32 v61, v8  }
0x137: {  	v39 =	vld [tilespmem:s17+$0x1060];
	v48 =	vmul.f32 v37, v15;
	v7 =	vadd.f32 v40, v7;
	v4 =	vadd.f32 v4, v56  }
0x138: {  	v25 =	vadd.f32 v25, v53;
	v56 =	vld [tilespmem:s17+$0x1150];
	v54 =	vmul.f32 v46, v10;
	v16 =	vadd.f32 v31, v16  }
0x139: {  	v35 =	vmul.f32 v52, v12;
	v7 =	vadd.f32 v7, v44;
	v62 =	vld [tilespmem:s17+$0x11D0];
	v52 =	vperm.xlane v6, v1  }
0x13a: {  	v63 =	vld [tilespmem:s17+$0x1160];
	v25 =	vadd.f32 v25, v28;
	v61 =	vmul.f32 v50, v11;
	v16 =	vadd.f32 v16, v54  }
0x13b: {  	v38 =	vld [tilespmem:s17+$0x1170];
	v57 =	vmul.f32 v34, v13;
	v7 =	vadd.f32 v7, v49;
	v6 =	vadd.f32 v52, v6  }
0x13c: {  	v33 =	vld [tilespmem:s17+$0x1070];
	v40 =	vmul.f32 v39, v14;
	v25 =	vadd.f32 v25, v32;
	v16 =	vadd.f32 v16, v61  }
0x13d: {  	v42 =	vld [tilespmem:s17+$0x11F0];
	v7 =	vadd.f32 v7, v27;
	v41 =	vmul.f32 v56, v13;
	v5 =	vadd.f32 v5, v47  }
0x13e: {  	v43 =	vmul.f32 v62, v13;
	v25 =	vadd.f32 v25, v26;
	v16 =	vadd.f32 v16, v35  }
0x13f: {  	v44 =	vmul.f32 v63, v14;
	v7 =	vadd.f32 v7, v30;
	v5 =	vadd.f32 v5, v57  }
0x140: {  	v49 =	vmul.f32 v38, v15;
	v46 =	vadd.f32 v25, v43;
	v16 =	vadd.f32 v16, v41  }
0x141: {  	v47 =	vmul.f32 v33, v15;
	v7 =	vadd.f32 v7, v22;
	v5 =	vadd.f32 v5, v40  }
0x142: {  	v50 =	vmul.f32 v42, v15;
	v22 =	vadd.f32 v46, v24;
	v16 =	vadd.f32 v16, v44  }
0x143: {  	v51 =	vperm.xlane v4, v1;
	v7 =	vadd.f32 v7, v48;
	v5 =	vadd.f32 v5, v47  }
0x144: {  	v56 =	vperm.xlane v2, v45;
	v22 =	vadd.f32 v22, v50;
	v16 =	vadd.f32 v16, v49  }
0x145: {  	v4 =	vadd.f32 v51, v4;
	v54 =	vperm.xlane v7, v1;
	v53 =	vperm.xlane v5, v1  }
0x146: {  	v2 =	vadd.f32 v56, v2;
	v26 =	vperm.xlane v22, v1;
	v55 =	vperm.xlane v16, v1  }
0x147: {  	v57 =	vld [tilespmem:$0x1FFF0];
	v7 =	vadd.f32 v54, v7;
	v5 =	vadd.f32 v53, v5  }
0x148: {  	v4 =	vsel vm0, v4, v6;
	v6 =	vadd.f32 v55, v16;
	v16 =	vadd.f32 v26, v22  }
0x149: {  	v0 =	vperm.xlane v0, v3;
	v5 =	vsel vm0, v5, v7;
	v7 =	vperm.xlane v4, v45  }
0x14a: {  	v62 =	vld [tilespmem:$0x1FFB0];
	v2 =	vperm.xlane v2, v3;
	v61 =	vperm.xlane v20, v3;
	v6 =	vsel vm0, v6, v16  }
0x14b: {  	v4 =	vadd.f32 v7, v4;
	v16 =	vperm.xlane v5, v45;
	v7 =	vperm.xlane v6, v45  }
0x14c: {  	v17 =	vperm.xlane v17, v57;
	v18 =	vperm.xlane v18, v57  }
0x14d: {  	v4 =	vperm.xlane v4, v3;
	v5 =	vadd.f32 v16, v5;
	v6 =	vadd.f32 v7, v6  }
0x14e: {  	v17 =	vsel vm0, v17, v18;
	v16 =	vperm.xlane v19, v3;
	v7 =	vperm.xlane v21, v3  }
0x14f: {  	v17 =	vadd.f32 v17, v62;
	v5 =	vperm.xlane v5, v3;
	v6 =	vperm.xlane v6, v3  }
0x150: {  	v2 =	vsel vm0, v2, v4;
	v16 =	vsel vm0, v16, v61;
	v0 =	vsel vm0, v0, v7  }
0x151: {  	v7 =	vperm.xlane v16, v58;
	v63 =	vperm.xlane v0, v58;
	v4 =	vsel vm0, v5, v6  }
0x152: {  	v5 =	vsub.f32 $0.0e+00, v17;
	v6 =	vperm.xlane v2, v58;
	v17 =	vperm.xlane v4, v58  }
0x153: {  	v7 =	vadd.f32 v7, v16;
	v0 =	vadd.f32 v63, v0  }
0x154: {  	v2 =	vadd.f32 v6, v2;
	v5 =	vmul.f32 $1.442695020e+00, v5;
	v4 =	vadd.f32 v17, v4  }
0x155: {  	v6 =	vperm.xlane v7, v59;
	v0 =	vperm.xlane v0, v59  }
0x156: {  	v2 =	vperm.xlane v2, v59;
	v4 =	vperm.xlane v4, v59;
	_ =	sdelay $0x1  }
0x157: {  	(erf) = vpow2.f32 v5;
	v0 =	vsel vm0, v6, v0;
	v2 =	vsel vm0, v2, v4  }
0x158: {  	v4 =	vperm.xlane v0, v60;
	v5 =	vperm.xlane v2, v60;
	_ =	sdelay $0x1  }
0x159: {  	v0 =	vadd.f32 v4, v0;
	v2 =	vadd.f32 v5, v2;
	_ =	sdelay $0x1  }
0x15a: {  	v0 =	vperm.xlane v0, v57;
	v2 =	vperm.xlane v2, v57;
	_ =	sdelay $0x1  }
0x15b: {  	v0 =	vsel vm0, v0, v2  }
0x15c: {  	v0 =	vadd.f32 v0, v62;
	_ =	sdelay $0x1  }
0x15d: {  	v2 =	vpop (erf);
	v0 =	vsub.f32 $0.0e+00, v0  }
0x15e: {  	v2 =	vadd.f32 $1.000000000e+00, v2  }
0x15f: {  	v0 =	vmul.f32 $1.442695020e+00, v0  }
0x160: {  	(erf) = vrcp.f32 v2  }
0x161: {  	(erf) = vpow2.f32 v0;
	_ =	sdelay $0x7  }
0x162: {  	v0 =	vpop (erf)  }
0x163: {  	v2 =	vpop (erf)  }
0x164: {  	v2 =	vadd.f32 $1.000000000e+00, v2;
	_ =	sdelay $0x1  }
0x165: {  	(erf) = vrcp.f32 v2;
	_ =	sdelay $0x4  }
0x166: {  	p0 =	slt.u32 s16, $0x1E  }
.Ltmp0:
0x167: {  	_ = 	snop;
	(pc) =	sbr.rel @p0 .LBB2_2-.Ltmp0, $4  }
0x168: {  	s29 =	sshll.u32 s16, $0x4  }
0x169: {  	s30 =	sand.u32 $0x3FFFFFF0, s29  }
0x16a: {  	s31 =	sadd.s32 $0x2, s16;
	[tilespmem:s30+$0x10300] =	vst v0;
	v0 =	vpop (erf)  }
0x16b: {  	s16 =	smov.u32 s31;
	[tilespmem:s29+$0x10310] =	vst v0  }
0x16c: {  	s15 =	sadd.s32 $0x1, s15  }
0x16d: {  	p0 =	sne.s32 s15, s7  }
.Ltmp1:
0x16e: {  	_ = 	snop;
	(pc) =	sbr.rel @p0 .LBB2_1-.Ltmp1, $4  }
0x16f: {  	[hbm4b:s6+s2] =	stream.linear.scatter [tilespmem:s14], [sflag:$0x2], $0x200, $0x38;
	[tilespmem:$0x10500] =	vst v63  }
0x170: {  	_ =	swait.ge [sflag:s9], $0x200  }
0x171: {  	[sflag:s9] =	ssyncset.done $0x0  }
0x172: {  	[sflag:s9] =	ssyncadd.s32 $0xFFFFFE00  }
0x173: {  	_ =	sfence.sel $0x180000  }
0x174: {  	[bflag:$0x0] =	sbarrier.arrive $0xFFFF  }
0x175: {  	p0 =	sne.s32 s3, $0x0;
	_ =	strace $0x90000047  }
0x176: {  	s0 =	sadd.s32 @!p0 $0x100000, s1;
	[bflag:$0x2] =	sbarrier.arrive $0xFFFF  }
0x177: {  	[sflag:s0] =	ssyncadd.tile.s32 @!p0 $0x1;
	_ =	shalt  }
.Lfunc_end2:
_tile_overlayer_lowered:
.L_overlay_start_2:
0x178: {  	(tag) =	ssettag $0x2  }
0x179: {  	s0 =	rddreg [dreg:$0x0];
	s2 =	stileid.u32  }
0x17a: {  	s1 =	rddreg [dreg:$0x1];
	p0 =	sne.s32 s2, $0x0  }
0x17b: {  	s3 =	rddreg [dreg:$0x2];
	[bflag:$0x3] =	sbarrier.arrive $0xFFFF;
	s2 =	simm.s32 @!p0 $0x1C02  }
0x17c: {  	[timem:s3], [sflag:s2] =	dma.local @!p0 [hbm:s0], s1  }
0x17d: {  	s0 =	simm.s32 @!p0 $0x2  }
0x17e: {  	_ =	swait.ge @!p0 [sflag:s0], s1  }
0x17f: {  	s1 =	ssub.s32 @!p0 $0x0, s1;
	[sflag:s0] =	ssyncset.done @!p0 $0x0  }
0x180: {  	[sflag:s0] =	ssyncadd.s32 @!p0 s1  }
0x181: {  	[bflag:$0x3] =	sbarrier.arrive $0xFFFF  }
0x182: {  	_ =	shalt  }

</sc_bundles>
